<compile_context>
chip_gen: v7x
topology: tpu7x:2x2x1
jax: 0.10.2.dev20260603
libtpu: 0.0.44.dev20260713+nightly
codegen_flags: <defaults>
</compile_context>

<pallas_src>
import functools

import jax
import jax.numpy as jnp
from jax import lax
from jax.experimental import pallas as pl
from jax.experimental.pallas import tpu as pltpu
from jax.experimental.pallas import tpu_sc as plsc

NC = 2
NS = 16
NW = NC * NS

CHUNK = 128


def _zero_fill_2d(buf, rows, cols):
    zero = jnp.zeros((16,), jnp.float32)

    def body(i, carry):
        for j in range(cols // 16):
            buf[i, pl.ds(j * 16, 16)] = zero
        return carry

    lax.fori_loop(0, rows, body, 0)


def _fill_1d(buf, n, value):
    vec = jnp.full((16,), value, jnp.float32)
    for j in range(n // 16):
        buf[pl.ds(j * 16, 16)] = vec



def _make_deg_kernel(n_tab, spw):
    mesh = plsc.VectorSubcoreMesh(core_axis_name="c", subcore_axis_name="s",
                                  num_cores=NC, num_subcores=NS)
    stripe = n_tab // NS

    @functools.partial(
        pl.kernel,
        out_type=jax.ShapeDtypeStruct((NC, 2, n_tab), jnp.float32),
        mesh=mesh,
        scratch_types=[
            pltpu.VMEM((spw, CHUNK), jnp.int32),
            pltpu.VMEM((spw, CHUNK), jnp.int32),
            pltpu.VMEM((CHUNK,), jnp.float32),
            pltpu.VMEM((stripe,), jnp.float32),
            pltpu.VMEM_SHARED((n_tab,), jnp.float32),
            pltpu.VMEM_SHARED((n_tab,), jnp.float32),
        ],
    )
    def deg_kernel(src_hbm, dst_hbm, deg_out, srcidx, dstidx, ones_v, zstripe,
                   outdeg_sh, indeg_sh):
        c = lax.axis_index("c")
        s = lax.axis_index("s")
        w = c * NS + s

        _fill_1d(zstripe, stripe, 0.0)
        _fill_1d(ones_v, CHUNK, 1.0)
        pltpu.sync_copy(zstripe, outdeg_sh.at[pl.ds(s * stripe, stripe)])
        pltpu.sync_copy(zstripe, indeg_sh.at[pl.ds(s * stripe, stripe)])
        plsc.subcore_barrier()

        pltpu.sync_copy(src_hbm.at[w], srcidx)
        pltpu.sync_copy(dst_hbm.at[w], dstidx)

        def body(j, carry):
            pltpu.sync_copy(ones_v, outdeg_sh.at[srcidx.at[j]], add=True)
            pltpu.sync_copy(ones_v, indeg_sh.at[dstidx.at[j]], add=True)
            return carry

        lax.fori_loop(0, spw, body, 0)
        plsc.subcore_barrier()

        pltpu.sync_copy(outdeg_sh.at[pl.ds(s * stripe, stripe)],
                        deg_out.at[c, 0, pl.ds(s * stripe, stripe)])
        pltpu.sync_copy(indeg_sh.at[pl.ds(s * stripe, stripe)],
                        deg_out.at[c, 1, pl.ds(s * stripe, stripe)])

    return deg_kernel



def _make_scatter_kernel(n_acc, d, spw):
    mesh = plsc.VectorSubcoreMesh(core_axis_name="c", subcore_axis_name="s",
                                  num_cores=NC, num_subcores=NS)
    stripe = n_acc // NS
    assert stripe % CHUNK == 0 and stripe % 8 == 0

    @functools.partial(
        pl.kernel,
        out_type=jax.ShapeDtypeStruct((NC, n_acc, d), jnp.float32),
        mesh=mesh,
        scratch_types=[
            pltpu.VMEM((spw, CHUNK), jnp.int32),
            pltpu.VMEM((spw, CHUNK), jnp.int32),
            pltpu.VMEM((CHUNK, d), jnp.float32),
            pltpu.VMEM_SHARED((n_acc, d), jnp.float32),
            pltpu.SemaphoreType.DMA,
        ],
    )
    def scatter_kernel(src_hbm, dst_hbm, feat_hbm, s_out, srcidx, dstidx,
                       rows, s_sh, gsem):
        c = lax.axis_index("c")
        s = lax.axis_index("s")
        w = c * NS + s

        _zero_fill_2d(rows, CHUNK, d)
        for k in range(stripe // CHUNK):
            pltpu.sync_copy(
                rows, s_sh.at[pl.ds(s * stripe + k * CHUNK, CHUNK)])
        plsc.subcore_barrier()

        pltpu.sync_copy(src_hbm.at[w], srcidx)
        pltpu.sync_copy(dst_hbm.at[w], dstidx)

        def body(j, carry):
            pltpu.async_copy(feat_hbm.at[srcidx.at[j]], rows, gsem).wait()
            pltpu.sync_copy(rows, s_sh.at[dstidx.at[j]], add=True)
            return carry

        lax.fori_loop(0, spw, body, 0)
        plsc.subcore_barrier()

        pltpu.sync_copy(s_sh.at[pl.ds(s * stripe, stripe)],
                        s_out.at[c, pl.ds(s * stripe, stripe)])

    return scatter_kernel



def _make_prescale_body(n):
    def _prescale_body(feat_ref, deg_ref, out_ref, norm_ref):
        od = deg_ref[0, 0, :] + deg_ref[1, 0, :]
        out_ref[pl.ds(0, n), :] = (
            feat_ref[...] * lax.rsqrt(jnp.maximum(od, 1.0))[:, None])
        idg = deg_ref[0, 1, :] + deg_ref[1, 1, :]
        norm_ref[...] = lax.rsqrt(jnp.maximum(idg, 1.0))[:, None]
    return _prescale_body



def _epilogue_body(sp_ref, feat_ref, x_ref, norm_ref, ws_ref, wi_ref, out_ref):
    s_sum = sp_ref[0] + sp_ref[1]
    r = jnp.dot(s_sum, ws_ref[...], preferred_element_type=jnp.float32)
    r = r + jnp.dot(feat_ref[...] * s_sum, wi_ref[...],
                    preferred_element_type=jnp.float32)
    out_ref[...] = (r * norm_ref[...] + x_ref[...]) * 0.5


def kernel(feature, edge_index, weight_self, weight_interaction):
    n, d = feature.shape
    e = edge_index.shape[1]

    spw = 4 * (-(-e // (NW * CHUNK * 4)))
    e_pad = NW * spw * CHUNK
    n_tab = NS * 128 * (-(-(n + 1) // (NS * 128)))
    n_acc = NS * 128 * (-(-(n + 1) // (NS * 128)))
    n_feat = 8 * (-(-(n + 1) // 8))

    pad = jnp.full((e_pad - e,), n, jnp.int32)
    src3d = jnp.concatenate([edge_index[0], pad]).reshape(NW, spw, CHUNK)
    dst3d = jnp.concatenate([edge_index[1], pad]).reshape(NW, spw, CHUNK)

    deg = _make_deg_kernel(n_tab, spw)(src3d, dst3d)
    deg = deg[:, :, :n]

    feat, norm_in = pl.pallas_call(
        _make_prescale_body(n),
        out_shape=(jax.ShapeDtypeStruct((n_feat, d), jnp.float32),
                   jax.ShapeDtypeStruct((n, 1), jnp.float32)),
    )(feature, deg)

    s_part = _make_scatter_kernel(n_acc, d, spw)(src3d, dst3d, feat)

    blk = 1000
    grid = n // blk
    rst = pl.pallas_call(
        _epilogue_body,
        grid=(grid,),
        in_specs=[
            pl.BlockSpec((NC, blk, d), lambda i: (0, i, 0)),
            pl.BlockSpec((blk, d), lambda i: (i, 0)),
            pl.BlockSpec((blk, d), lambda i: (i, 0)),
            pl.BlockSpec((blk, 1), lambda i: (i, 0)),
            pl.BlockSpec((d, d), lambda i: (0, 0)),
            pl.BlockSpec((d, d), lambda i: (0, 0)),
        ],
        out_specs=pl.BlockSpec((blk, d), lambda i: (i, 0)),
        out_shape=jax.ShapeDtypeStruct((n, d), jnp.float32),
    )(s_part, feat, feature, norm_in, weight_self, weight_interaction)

    return rst

# --- scband reference (transcript-rebuilt; emitter-appended) ---
"""Pipeline reference for scband-ngcfconv-62801011802126 (READ-ONLY COPY).

The authoritative reference and input builder live on the scoring server;
editing this copy changes nothing except your own understanding.
"""

import jax, jax.numpy as jnp
import numpy as np

N = 10000
E = 320000
D = 128


def setup_inputs(seed: int = 0) -> dict:
    key = jax.random.key(seed)
    k1, k2, k3, k4 = jax.random.split(key, 4)
    feature = jax.random.normal(k1, (N, D), dtype=jnp.float32)
    edge_index = jax.random.randint(k2, (2, E), 0, N, dtype=jnp.int32)
    s = float(np.sqrt(6.0 / (D + D)))  # xavier_uniform
    weight_self = jax.random.uniform(k3, (D, D), minval=-s, maxval=s, dtype=jnp.float32)
    weight_interaction = jax.random.uniform(k4, (D, D), minval=-s, maxval=s, dtype=jnp.float32)
    return {"feature": feature, "edge_index": edge_index,
            "weight_self": weight_self, "weight_interaction": weight_interaction}


def reference(feature, edge_index, weight_self, weight_interaction):
    n = feature.shape[0]
    src = edge_index[0]
    dst = edge_index[1]

    feature_original = feature

    # out-degree normalization (degree of src endpoint)
    out_deg = jnp.zeros((n,), dtype=jnp.float32).at[src].add(1.0)
    out_deg = jnp.maximum(out_deg, 1.0)
    norm_out = out_deg ** -0.5
    feat = feature * norm_out[:, None]

    # update_all(copy_u, sum): h_self[dst] += feat[src]
    m_self = jnp.take(feat, src, axis=0)
    h_self = jax.ops.segment_sum(m_self, dst, num_segments=n)

    # interaction message: feat[src] * feat[dst], summed into dst
    m_inter = jnp.take(feat, src, axis=0) * jnp.take(feat, dst, axis=0)
    h_inter = jax.ops.segment_sum(m_inter, dst, num_segments=n)

    rst = jnp.matmul(h_self, weight_self) + jnp.matmul(h_inter, weight_interaction)

    # in-degree normalization (degree of dst endpoint)
    in_deg = jnp.zeros((n,), dtype=jnp.float32).at[dst].add(1.0)
    in_deg = jnp.maximum(in_deg, 1.0)
    norm_in = in_deg ** -0.5
    rst = rst * norm_in[:, None]

    rst = (rst + feature_original) / 2.0
    return rst

if __name__ == "__main__":
    import jax
    _d = setup_inputs()
    print(jax.jit(kernel)(*tuple(_d.values())))

</pallas_src>

<mosaic_0001>
#map = affine_map<(d0, d1) -> (0, 0, 0)>
module attributes {stable_mosaic.version = 14 : i64} {
  func.func @deg_kernel(%arg0: i32, %arg1: i32, %arg2: memref<32x80x128xi32, #tpu.memory_space<hbm>>, %arg3: memref<32x80x128xi32, #tpu.memory_space<hbm>>, %arg4: memref<2x2x10240xf32, #tpu.memory_space<hbm>>, %arg5: memref<80x128xi32, #tpu.memory_space<vmem>>, %arg6: memref<80x128xi32, #tpu.memory_space<vmem>>, %arg7: memref<128xf32, #tpu.memory_space<vmem>>, %arg8: memref<640xf32, #tpu.memory_space<vmem>>, %arg9: memref<10240xf32, #tpu.memory_space<vmem_shared>>, %arg10: memref<10240xf32, #tpu.memory_space<vmem_shared>>) attributes {dimension_semantics = [#tpu.dimension_semantics<core_parallel>, #tpu.dimension_semantics<subcore_parallel>], iteration_bounds = array<i64: 2, 16>, scalar_prefetch = 0 : i64, scratch_operands = 6 : i64, tpu.core_type = #tpu.core_type<sc_vector_subcore>, window_params = [{transform_indices = #map}, {transform_indices = #map}, {transform_indices = #map}]} {
    %mul3A = arith.constant 16 : i32
    %mul3A_0 = arith.muli %arg0, %mul3A : i32
    %add3A = arith.addi %mul3A_0, %arg1 : i32
    %broadcast_in_dim3A = arith.constant 0.000000e+00 : f32
    %broadcast_in_dim3A_1 = vector.broadcast %broadcast_in_dim3A : f32 to vector<16xf32>
    %swap3A = arith.constant 0 : index
    %swap3A_2 = tpu.vector_load %arg8[%swap3A] {strides = array<i32>} : memref<640xf32, #tpu.memory_space<vmem>>, vector<16xf32>,
    %swap3A_3 = vector.shape_cast %swap3A_2 : vector<16xf32> to vector<16xf32>
    %swap3A_4 = vector.shape_cast %broadcast_in_dim3A_1 : vector<16xf32> to vector<16xf32>
    tpu.vector_store %arg8[%swap3A], %swap3A_4 {strides = array<i32>} : memref<640xf32, #tpu.memory_space<vmem>>, vector<16xf32>,
    %swap3A_5 = arith.constant 16 : index
    %swap3A_6 = tpu.vector_load %arg8[%swap3A_5] {strides = array<i32>} : memref<640xf32, #tpu.memory_space<vmem>>, vector<16xf32>,
    %swap3A_7 = vector.shape_cast %swap3A_6 : vector<16xf32> to vector<16xf32>
    %swap3A_8 = vector.shape_cast %broadcast_in_dim3A_1 : vector<16xf32> to vector<16xf32>
    tpu.vector_store %arg8[%swap3A_5], %swap3A_8 {strides = array<i32>} : memref<640xf32, #tpu.memory_space<vmem>>, vector<16xf32>,
    %swap3A_9 = arith.constant 32 : index
    %swap3A_10 = tpu.vector_load %arg8[%swap3A_9] {strides = array<i32>} : memref<640xf32, #tpu.memory_space<vmem>>, vector<16xf32>,
    %swap3A_11 = vector.shape_cast %swap3A_10 : vector<16xf32> to vector<16xf32>
    %swap3A_12 = vector.shape_cast %broadcast_in_dim3A_1 : vector<16xf32> to vector<16xf32>
    tpu.vector_store %arg8[%swap3A_9], %swap3A_12 {strides = array<i32>} : memref<640xf32, #tpu.memory_space<vmem>>, vector<16xf32>,
    %swap3A_13 = arith.constant 48 : index
    %swap3A_14 = tpu.vector_load %arg8[%swap3A_13] {strides = array<i32>} : memref<640xf32, #tpu.memory_space<vmem>>, vector<16xf32>,
    %swap3A_15 = vector.shape_cast %swap3A_14 : vector<16xf32> to vector<16xf32>
    %swap3A_16 = vector.shape_cast %broadcast_in_dim3A_1 : vector<16xf32> to vector<16xf32>
    tpu.vector_store %arg8[%swap3A_13], %swap3A_16 {strides = array<i32>} : memref<640xf32, #tpu.memory_space<vmem>>, vector<16xf32>,
    %swap3A_17 = arith.constant 64 : index
    %swap3A_18 = tpu.vector_load %arg8[%swap3A_17] {strides = array<i32>} : memref<640xf32, #tpu.memory_space<vmem>>, vector<16xf32>,
    %swap3A_19 = vector.shape_cast %swap3A_18 : vector<16xf32> to vector<16xf32>
    %swap3A_20 = vector.shape_cast %broadcast_in_dim3A_1 : vector<16xf32> to vector<16xf32>
    tpu.vector_store %arg8[%swap3A_17], %swap3A_20 {strides = array<i32>} : memref<640xf32, #tpu.memory_space<vmem>>, vector<16xf32>,
    %swap3A_21 = arith.constant 80 : index
    %swap3A_22 = tpu.vector_load %arg8[%swap3A_21] {strides = array<i32>} : memref<640xf32, #tpu.memory_space<vmem>>, vector<16xf32>,
    %swap3A_23 = vector.shape_cast %swap3A_22 : vector<16xf32> to vector<16xf32>
    %swap3A_24 = vector.shape_cast %broadcast_in_dim3A_1 : vector<16xf32> to vector<16xf32>
    tpu.vector_store %arg8[%swap3A_21], %swap3A_24 {strides = array<i32>} : memref<640xf32, #tpu.memory_space<vmem>>, vector<16xf32>,
    %swap3A_25 = arith.constant 96 : index
    %swap3A_26 = tpu.vector_load %arg8[%swap3A_25] {strides = array<i32>} : memref<640xf32, #tpu.memory_space<vmem>>, vector<16xf32>,
    %swap3A_27 = vector.shape_cast %swap3A_26 : vector<16xf32> to vector<16xf32>
    %swap3A_28 = vector.shape_cast %broadcast_in_dim3A_1 : vector<16xf32> to vector<16xf32>
    tpu.vector_store %arg8[%swap3A_25], %swap3A_28 {strides = array<i32>} : memref<640xf32, #tpu.memory_space<vmem>>, vector<16xf32>,
    %swap3A_29 = arith.constant 112 : index
    %swap3A_30 = tpu.vector_load %arg8[%swap3A_29] {strides = array<i32>} : memref<640xf32, #tpu.memory_space<vmem>>, vector<16xf32>,
    %swap3A_31 = vector.shape_cast %swap3A_30 : vector<16xf32> to vector<16xf32>
    %swap3A_32 = vector.shape_cast %broadcast_in_dim3A_1 : vector<16xf32> to vector<16xf32>
    tpu.vector_store %arg8[%swap3A_29], %swap3A_32 {strides = array<i32>} : memref<640xf32, #tpu.memory_space<vmem>>, vector<16xf32>,
    %swap3A_33 = arith.constant 128 : index
    %swap3A_34 = tpu.vector_load %arg8[%swap3A_33] {strides = array<i32>} : memref<640xf32, #tpu.memory_space<vmem>>, vector<16xf32>,
    %swap3A_35 = vector.shape_cast %swap3A_34 : vector<16xf32> to vector<16xf32>
    %swap3A_36 = vector.shape_cast %broadcast_in_dim3A_1 : vector<16xf32> to vector<16xf32>
    tpu.vector_store %arg8[%swap3A_33], %swap3A_36 {strides = array<i32>} : memref<640xf32, #tpu.memory_space<vmem>>, vector<16xf32>,
    %swap3A_37 = arith.constant 144 : index
    %swap3A_38 = tpu.vector_load %arg8[%swap3A_37] {strides = array<i32>} : memref<640xf32, #tpu.memory_space<vmem>>, vector<16xf32>,
    %swap3A_39 = vector.shape_cast %swap3A_38 : vector<16xf32> to vector<16xf32>
    %swap3A_40 = vector.shape_cast %broadcast_in_dim3A_1 : vector<16xf32> to vector<16xf32>
    tpu.vector_store %arg8[%swap3A_37], %swap3A_40 {strides = array<i32>} : memref<640xf32, #tpu.memory_space<vmem>>, vector<16xf32>,
    %swap3A_41 = arith.constant 160 : index
    %swap3A_42 = tpu.vector_load %arg8[%swap3A_41] {strides = array<i32>} : memref<640xf32, #tpu.memory_space<vmem>>, vector<16xf32>,
    %swap3A_43 = vector.shape_cast %swap3A_42 : vector<16xf32> to vector<16xf32>
    %swap3A_44 = vector.shape_cast %broadcast_in_dim3A_1 : vector<16xf32> to vector<16xf32>
    tpu.vector_store %arg8[%swap3A_41], %swap3A_44 {strides = array<i32>} : memref<640xf32, #tpu.memory_space<vmem>>, vector<16xf32>,
    %swap3A_45 = arith.constant 176 : index
    %swap3A_46 = tpu.vector_load %arg8[%swap3A_45] {strides = array<i32>} : memref<640xf32, #tpu.memory_space<vmem>>, vector<16xf32>,
    %swap3A_47 = vector.shape_cast %swap3A_46 : vector<16xf32> to vector<16xf32>
    %swap3A_48 = vector.shape_cast %broadcast_in_dim3A_1 : vector<16xf32> to vector<16xf32>
    tpu.vector_store %arg8[%swap3A_45], %swap3A_48 {strides = array<i32>} : memref<640xf32, #tpu.memory_space<vmem>>, vector<16xf32>,
    %swap3A_49 = arith.constant 192 : index
    %swap3A_50 = tpu.vector_load %arg8[%swap3A_49] {strides = array<i32>} : memref<640xf32, #tpu.memory_space<vmem>>, vector<16xf32>,
    %swap3A_51 = vector.shape_cast %swap3A_50 : vector<16xf32> to vector<16xf32>
    %swap3A_52 = vector.shape_cast %broadcast_in_dim3A_1 : vector<16xf32> to vector<16xf32>
    tpu.vector_store %arg8[%swap3A_49], %swap3A_52 {strides = array<i32>} : memref<640xf32, #tpu.memory_space<vmem>>, vector<16xf32>,
    %swap3A_53 = arith.constant 208 : index
    %swap3A_54 = tpu.vector_load %arg8[%swap3A_53] {strides = array<i32>} : memref<640xf32, #tpu.memory_space<vmem>>, vector<16xf32>,
    %swap3A_55 = vector.shape_cast %swap3A_54 : vector<16xf32> to vector<16xf32>
    %swap3A_56 = vector.shape_cast %broadcast_in_dim3A_1 : vector<16xf32> to vector<16xf32>
    tpu.vector_store %arg8[%swap3A_53], %swap3A_56 {strides = array<i32>} : memref<640xf32, #tpu.memory_space<vmem>>, vector<16xf32>,
    %swap3A_57 = arith.constant 224 : index
    %swap3A_58 = tpu.vector_load %arg8[%swap3A_57] {strides = array<i32>} : memref<640xf32, #tpu.memory_space<vmem>>, vector<16xf32>,
    %swap3A_59 = vector.shape_cast %swap3A_58 : vector<16xf32> to vector<16xf32>
    %swap3A_60 = vector.shape_cast %broadcast_in_dim3A_1 : vector<16xf32> to vector<16xf32>
    tpu.vector_store %arg8[%swap3A_57], %swap3A_60 {strides = array<i32>} : memref<640xf32, #tpu.memory_space<vmem>>, vector<16xf32>,
    %swap3A_61 = arith.constant 240 : index
    %swap3A_62 = tpu.vector_load %arg8[%swap3A_61] {strides = array<i32>} : memref<640xf32, #tpu.memory_space<vmem>>, vector<16xf32>,
    %swap3A_63 = vector.shape_cast %swap3A_62 : vector<16xf32> to vector<16xf32>
    %swap3A_64 = vector.shape_cast %broadcast_in_dim3A_1 : vector<16xf32> to vector<16xf32>
    tpu.vector_store %arg8[%swap3A_61], %swap3A_64 {strides = array<i32>} : memref<640xf32, #tpu.memory_space<vmem>>, vector<16xf32>,
    %swap3A_65 = arith.constant 256 : index
    %swap3A_66 = tpu.vector_load %arg8[%swap3A_65] {strides = array<i32>} : memref<640xf32, #tpu.memory_space<vmem>>, vector<16xf32>,
    %swap3A_67 = vector.shape_cast %swap3A_66 : vector<16xf32> to vector<16xf32>
    %swap3A_68 = vector.shape_cast %broadcast_in_dim3A_1 : vector<16xf32> to vector<16xf32>
    tpu.vector_store %arg8[%swap3A_65], %swap3A_68 {strides = array<i32>} : memref<640xf32, #tpu.memory_space<vmem>>, vector<16xf32>,
    %swap3A_69 = arith.constant 272 : index
    %swap3A_70 = tpu.vector_load %arg8[%swap3A_69] {strides = array<i32>} : memref<640xf32, #tpu.memory_space<vmem>>, vector<16xf32>,
    %swap3A_71 = vector.shape_cast %swap3A_70 : vector<16xf32> to vector<16xf32>
    %swap3A_72 = vector.shape_cast %broadcast_in_dim3A_1 : vector<16xf32> to vector<16xf32>
    tpu.vector_store %arg8[%swap3A_69], %swap3A_72 {strides = array<i32>} : memref<640xf32, #tpu.memory_space<vmem>>, vector<16xf32>,
    %swap3A_73 = arith.constant 288 : index
    %swap3A_74 = tpu.vector_load %arg8[%swap3A_73] {strides = array<i32>} : memref<640xf32, #tpu.memory_space<vmem>>, vector<16xf32>,
    %swap3A_75 = vector.shape_cast %swap3A_74 : vector<16xf32> to vector<16xf32>
    %swap3A_76 = vector.shape_cast %broadcast_in_dim3A_1 : vector<16xf32> to vector<16xf32>
    tpu.vector_store %arg8[%swap3A_73], %swap3A_76 {strides = array<i32>} : memref<640xf32, #tpu.memory_space<vmem>>, vector<16xf32>,
    %swap3A_77 = arith.constant 304 : index
    %swap3A_78 = tpu.vector_load %arg8[%swap3A_77] {strides = array<i32>} : memref<640xf32, #tpu.memory_space<vmem>>, vector<16xf32>,
    %swap3A_79 = vector.shape_cast %swap3A_78 : vector<16xf32> to vector<16xf32>
    %swap3A_80 = vector.shape_cast %broadcast_in_dim3A_1 : vector<16xf32> to vector<16xf32>
    tpu.vector_store %arg8[%swap3A_77], %swap3A_80 {strides = array<i32>} : memref<640xf32, #tpu.memory_space<vmem>>, vector<16xf32>,
    %swap3A_81 = arith.constant 320 : index
    %swap3A_82 = tpu.vector_load %arg8[%swap3A_81] {strides = array<i32>} : memref<640xf32, #tpu.memory_space<vmem>>, vector<16xf32>,
    %swap3A_83 = vector.shape_cast %swap3A_82 : vector<16xf32> to vector<16xf32>
    %swap3A_84 = vector.shape_cast %broadcast_in_dim3A_1 : vector<16xf32> to vector<16xf32>
    tpu.vector_store %arg8[%swap3A_81], %swap3A_84 {strides = array<i32>} : memref<640xf32, #tpu.memory_space<vmem>>, vector<16xf32>,
    %swap3A_85 = arith.constant 336 : index
    %swap3A_86 = tpu.vector_load %arg8[%swap3A_85] {strides = array<i32>} : memref<640xf32, #tpu.memory_space<vmem>>, vector<16xf32>,
    %swap3A_87 = vector.shape_cast %swap3A_86 : vector<16xf32> to vector<16xf32>
    %swap3A_88 = vector.shape_cast %broadcast_in_dim3A_1 : vector<16xf32> to vector<16xf32>
    tpu.vector_store %arg8[%swap3A_85], %swap3A_88 {strides = array<i32>} : memref<640xf32, #tpu.memory_space<vmem>>, vector<16xf32>,
    %swap3A_89 = arith.constant 352 : index
    %swap3A_90 = tpu.vector_load %arg8[%swap3A_89] {strides = array<i32>} : memref<640xf32, #tpu.memory_space<vmem>>, vector<16xf32>,
    %swap3A_91 = vector.shape_cast %swap3A_90 : vector<16xf32> to vector<16xf32>
    %swap3A_92 = vector.shape_cast %broadcast_in_dim3A_1 : vector<16xf32> to vector<16xf32>
    tpu.vector_store %arg8[%swap3A_89], %swap3A_92 {strides = array<i32>} : memref<640xf32, #tpu.memory_space<vmem>>, vector<16xf32>,
    %swap3A_93 = arith.constant 368 : index
    %swap3A_94 = tpu.vector_load %arg8[%swap3A_93] {strides = array<i32>} : memref<640xf32, #tpu.memory_space<vmem>>, vector<16xf32>,
    %swap3A_95 = vector.shape_cast %swap3A_94 : vector<16xf32> to vector<16xf32>
    %swap3A_96 = vector.shape_cast %broadcast_in_dim3A_1 : vector<16xf32> to vector<16xf32>
    tpu.vector_store %arg8[%swap3A_93], %swap3A_96 {strides = array<i32>} : memref<640xf32, #tpu.memory_space<vmem>>, vector<16xf32>,
    %swap3A_97 = arith.constant 384 : index
    %swap3A_98 = tpu.vector_load %arg8[%swap3A_97] {strides = array<i32>} : memref<640xf32, #tpu.memory_space<vmem>>, vector<16xf32>,
    %swap3A_99 = vector.shape_cast %swap3A_98 : vector<16xf32> to vector<16xf32>
    %swap3A_100 = vector.shape_cast %broadcast_in_dim3A_1 : vector<16xf32> to vector<16xf32>
    tpu.vector_store %arg8[%swap3A_97], %swap3A_100 {strides = array<i32>} : memref<640xf32, #tpu.memory_space<vmem>>, vector<16xf32>,
    %swap3A_101 = arith.constant 400 : index
    %swap3A_102 = tpu.vector_load %arg8[%swap3A_101] {strides = array<i32>} : memref<640xf32, #tpu.memory_space<vmem>>, vector<16xf32>,
    %swap3A_103 = vector.shape_cast %swap3A_102 : vector<16xf32> to vector<16xf32>
    %swap3A_104 = vector.shape_cast %broadcast_in_dim3A_1 : vector<16xf32> to vector<16xf32>
    tpu.vector_store %arg8[%swap3A_101], %swap3A_104 {strides = array<i32>} : memref<640xf32, #tpu.memory_space<vmem>>, vector<16xf32>,
    %swap3A_105 = arith.constant 416 : index
    %swap3A_106 = tpu.vector_load %arg8[%swap3A_105] {strides = array<i32>} : memref<640xf32, #tpu.memory_space<vmem>>, vector<16xf32>,
    %swap3A_107 = vector.shape_cast %swap3A_106 : vector<16xf32> to vector<16xf32>
    %swap3A_108 = vector.shape_cast %broadcast_in_dim3A_1 : vector<16xf32> to vector<16xf32>
    tpu.vector_store %arg8[%swap3A_105], %swap3A_108 {strides = array<i32>} : memref<640xf32, #tpu.memory_space<vmem>>, vector<16xf32>,
    %swap3A_109 = arith.constant 432 : index
    %swap3A_110 = tpu.vector_load %arg8[%swap3A_109] {strides = array<i32>} : memref<640xf32, #tpu.memory_space<vmem>>, vector<16xf32>,
    %swap3A_111 = vector.shape_cast %swap3A_110 : vector<16xf32> to vector<16xf32>
    %swap3A_112 = vector.shape_cast %broadcast_in_dim3A_1 : vector<16xf32> to vector<16xf32>
    tpu.vector_store %arg8[%swap3A_109], %swap3A_112 {strides = array<i32>} : memref<640xf32, #tpu.memory_space<vmem>>, vector<16xf32>,
    %swap3A_113 = arith.constant 448 : index
    %swap3A_114 = tpu.vector_load %arg8[%swap3A_113] {strides = array<i32>} : memref<640xf32, #tpu.memory_space<vmem>>, vector<16xf32>,
    %swap3A_115 = vector.shape_cast %swap3A_114 : vector<16xf32> to vector<16xf32>
    %swap3A_116 = vector.shape_cast %broadcast_in_dim3A_1 : vector<16xf32> to vector<16xf32>
    tpu.vector_store %arg8[%swap3A_113], %swap3A_116 {strides = array<i32>} : memref<640xf32, #tpu.memory_space<vmem>>, vector<16xf32>,
    %swap3A_117 = arith.constant 464 : index
    %swap3A_118 = tpu.vector_load %arg8[%swap3A_117] {strides = array<i32>} : memref<640xf32, #tpu.memory_space<vmem>>, vector<16xf32>,
    %swap3A_119 = vector.shape_cast %swap3A_118 : vector<16xf32> to vector<16xf32>
    %swap3A_120 = vector.shape_cast %broadcast_in_dim3A_1 : vector<16xf32> to vector<16xf32>
    tpu.vector_store %arg8[%swap3A_117], %swap3A_120 {strides = array<i32>} : memref<640xf32, #tpu.memory_space<vmem>>, vector<16xf32>,
    %swap3A_121 = arith.constant 480 : index
    %swap3A_122 = tpu.vector_load %arg8[%swap3A_121] {strides = array<i32>} : memref<640xf32, #tpu.memory_space<vmem>>, vector<16xf32>,
    %swap3A_123 = vector.shape_cast %swap3A_122 : vector<16xf32> to vector<16xf32>
    %swap3A_124 = vector.shape_cast %broadcast_in_dim3A_1 : vector<16xf32> to vector<16xf32>
    tpu.vector_store %arg8[%swap3A_121], %swap3A_124 {strides = array<i32>} : memref<640xf32, #tpu.memory_space<vmem>>, vector<16xf32>,
    %swap3A_125 = arith.constant 496 : index
    %swap3A_126 = tpu.vector_load %arg8[%swap3A_125] {strides = array<i32>} : memref<640xf32, #tpu.memory_space<vmem>>, vector<16xf32>,
    %swap3A_127 = vector.shape_cast %swap3A_126 : vector<16xf32> to vector<16xf32>
    %swap3A_128 = vector.shape_cast %broadcast_in_dim3A_1 : vector<16xf32> to vector<16xf32>
    tpu.vector_store %arg8[%swap3A_125], %swap3A_128 {strides = array<i32>} : memref<640xf32, #tpu.memory_space<vmem>>, vector<16xf32>,
    %swap3A_129 = arith.constant 512 : index
    %swap3A_130 = tpu.vector_load %arg8[%swap3A_129] {strides = array<i32>} : memref<640xf32, #tpu.memory_space<vmem>>, vector<16xf32>,
    %swap3A_131 = vector.shape_cast %swap3A_130 : vector<16xf32> to vector<16xf32>
    %swap3A_132 = vector.shape_cast %broadcast_in_dim3A_1 : vector<16xf32> to vector<16xf32>
    tpu.vector_store %arg8[%swap3A_129], %swap3A_132 {strides = array<i32>} : memref<640xf32, #tpu.memory_space<vmem>>, vector<16xf32>,
    %swap3A_133 = arith.constant 528 : index
    %swap3A_134 = tpu.vector_load %arg8[%swap3A_133] {strides = array<i32>} : memref<640xf32, #tpu.memory_space<vmem>>, vector<16xf32>,
    %swap3A_135 = vector.shape_cast %swap3A_134 : vector<16xf32> to vector<16xf32>
    %swap3A_136 = vector.shape_cast %broadcast_in_dim3A_1 : vector<16xf32> to vector<16xf32>
    tpu.vector_store %arg8[%swap3A_133], %swap3A_136 {strides = array<i32>} : memref<640xf32, #tpu.memory_space<vmem>>, vector<16xf32>,
    %swap3A_137 = arith.constant 544 : index
    %swap3A_138 = tpu.vector_load %arg8[%swap3A_137] {strides = array<i32>} : memref<640xf32, #tpu.memory_space<vmem>>, vector<16xf32>,
    %swap3A_139 = vector.shape_cast %swap3A_138 : vector<16xf32> to vector<16xf32>
    %swap3A_140 = vector.shape_cast %broadcast_in_dim3A_1 : vector<16xf32> to vector<16xf32>
    tpu.vector_store %arg8[%swap3A_137], %swap3A_140 {strides = array<i32>} : memref<640xf32, #tpu.memory_space<vmem>>, vector<16xf32>,
    %swap3A_141 = arith.constant 560 : index
    %swap3A_142 = tpu.vector_load %arg8[%swap3A_141] {strides = array<i32>} : memref<640xf32, #tpu.memory_space<vmem>>, vector<16xf32>,
    %swap3A_143 = vector.shape_cast %swap3A_142 : vector<16xf32> to vector<16xf32>
    %swap3A_144 = vector.shape_cast %broadcast_in_dim3A_1 : vector<16xf32> to vector<16xf32>
    tpu.vector_store %arg8[%swap3A_141], %swap3A_144 {strides = array<i32>} : memref<640xf32, #tpu.memory_space<vmem>>, vector<16xf32>,
    %swap3A_145 = arith.constant 576 : index
    %swap3A_146 = tpu.vector_load %arg8[%swap3A_145] {strides = array<i32>} : memref<640xf32, #tpu.memory_space<vmem>>, vector<16xf32>,
    %swap3A_147 = vector.shape_cast %swap3A_146 : vector<16xf32> to vector<16xf32>
    %swap3A_148 = vector.shape_cast %broadcast_in_dim3A_1 : vector<16xf32> to vector<16xf32>
    tpu.vector_store %arg8[%swap3A_145], %swap3A_148 {strides = array<i32>} : memref<640xf32, #tpu.memory_space<vmem>>, vector<16xf32>,
    %swap3A_149 = arith.constant 592 : index
    %swap3A_150 = tpu.vector_load %arg8[%swap3A_149] {strides = array<i32>} : memref<640xf32, #tpu.memory_space<vmem>>, vector<16xf32>,
    %swap3A_151 = vector.shape_cast %swap3A_150 : vector<16xf32> to vector<16xf32>
    %swap3A_152 = vector.shape_cast %broadcast_in_dim3A_1 : vector<16xf32> to vector<16xf32>
    tpu.vector_store %arg8[%swap3A_149], %swap3A_152 {strides = array<i32>} : memref<640xf32, #tpu.memory_space<vmem>>, vector<16xf32>,
    %swap3A_153 = arith.constant 608 : index
    %swap3A_154 = tpu.vector_load %arg8[%swap3A_153] {strides = array<i32>} : memref<640xf32, #tpu.memory_space<vmem>>, vector<16xf32>,
    %swap3A_155 = vector.shape_cast %swap3A_154 : vector<16xf32> to vector<16xf32>
    %swap3A_156 = vector.shape_cast %broadcast_in_dim3A_1 : vector<16xf32> to vector<16xf32>
    tpu.vector_store %arg8[%swap3A_153], %swap3A_156 {strides = array<i32>} : memref<640xf32, #tpu.memory_space<vmem>>, vector<16xf32>,
    %swap3A_157 = arith.constant 624 : index
    %swap3A_158 = tpu.vector_load %arg8[%swap3A_157] {strides = array<i32>} : memref<640xf32, #tpu.memory_space<vmem>>, vector<16xf32>,
    %swap3A_159 = vector.shape_cast %swap3A_158 : vector<16xf32> to vector<16xf32>
    %swap3A_160 = vector.shape_cast %broadcast_in_dim3A_1 : vector<16xf32> to vector<16xf32>
    tpu.vector_store %arg8[%swap3A_157], %swap3A_160 {strides = array<i32>} : memref<640xf32, #tpu.memory_space<vmem>>, vector<16xf32>,
    %broadcast_in_dim3A_161 = arith.constant 1.000000e+00 : f32
    %broadcast_in_dim3A_162 = vector.broadcast %broadcast_in_dim3A_161 : f32 to vector<16xf32>
    %swap3A_163 = arith.constant 0 : index
    %swap3A_164 = tpu.vector_load %arg7[%swap3A_163] {strides = array<i32>} : memref<128xf32, #tpu.memory_space<vmem>>, vector<16xf32>,
    %swap3A_165 = vector.shape_cast %swap3A_164 : vector<16xf32> to vector<16xf32>
    %swap3A_166 = vector.shape_cast %broadcast_in_dim3A_162 : vector<16xf32> to vector<16xf32>
    tpu.vector_store %arg7[%swap3A_163], %swap3A_166 {strides = array<i32>} : memref<128xf32, #tpu.memory_space<vmem>>, vector<16xf32>,
    %swap3A_167 = arith.constant 16 : index
    %swap3A_168 = tpu.vector_load %arg7[%swap3A_167] {strides = array<i32>} : memref<128xf32, #tpu.memory_space<vmem>>, vector<16xf32>,
    %swap3A_169 = vector.shape_cast %swap3A_168 : vector<16xf32> to vector<16xf32>
    %swap3A_170 = vector.shape_cast %broadcast_in_dim3A_162 : vector<16xf32> to vector<16xf32>
    tpu.vector_store %arg7[%swap3A_167], %swap3A_170 {strides = array<i32>} : memref<128xf32, #tpu.memory_space<vmem>>, vector<16xf32>,
    %swap3A_171 = arith.constant 32 : index
    %swap3A_172 = tpu.vector_load %arg7[%swap3A_171] {strides = array<i32>} : memref<128xf32, #tpu.memory_space<vmem>>, vector<16xf32>,
    %swap3A_173 = vector.shape_cast %swap3A_172 : vector<16xf32> to vector<16xf32>
    %swap3A_174 = vector.shape_cast %broadcast_in_dim3A_162 : vector<16xf32> to vector<16xf32>
    tpu.vector_store %arg7[%swap3A_171], %swap3A_174 {strides = array<i32>} : memref<128xf32, #tpu.memory_space<vmem>>, vector<16xf32>,
    %swap3A_175 = arith.constant 48 : index
    %swap3A_176 = tpu.vector_load %arg7[%swap3A_175] {strides = array<i32>} : memref<128xf32, #tpu.memory_space<vmem>>, vector<16xf32>,
    %swap3A_177 = vector.shape_cast %swap3A_176 : vector<16xf32> to vector<16xf32>
    %swap3A_178 = vector.shape_cast %broadcast_in_dim3A_162 : vector<16xf32> to vector<16xf32>
    tpu.vector_store %arg7[%swap3A_175], %swap3A_178 {strides = array<i32>} : memref<128xf32, #tpu.memory_space<vmem>>, vector<16xf32>,
    %swap3A_179 = arith.constant 64 : index
    %swap3A_180 = tpu.vector_load %arg7[%swap3A_179] {strides = array<i32>} : memref<128xf32, #tpu.memory_space<vmem>>, vector<16xf32>,
    %swap3A_181 = vector.shape_cast %swap3A_180 : vector<16xf32> to vector<16xf32>
    %swap3A_182 = vector.shape_cast %broadcast_in_dim3A_162 : vector<16xf32> to vector<16xf32>
    tpu.vector_store %arg7[%swap3A_179], %swap3A_182 {strides = array<i32>} : memref<128xf32, #tpu.memory_space<vmem>>, vector<16xf32>,
    %swap3A_183 = arith.constant 80 : index
    %swap3A_184 = tpu.vector_load %arg7[%swap3A_183] {strides = array<i32>} : memref<128xf32, #tpu.memory_space<vmem>>, vector<16xf32>,
    %swap3A_185 = vector.shape_cast %swap3A_184 : vector<16xf32> to vector<16xf32>
    %swap3A_186 = vector.shape_cast %broadcast_in_dim3A_162 : vector<16xf32> to vector<16xf32>
    tpu.vector_store %arg7[%swap3A_183], %swap3A_186 {strides = array<i32>} : memref<128xf32, #tpu.memory_space<vmem>>, vector<16xf32>,
    %swap3A_187 = arith.constant 96 : index
    %swap3A_188 = tpu.vector_load %arg7[%swap3A_187] {strides = array<i32>} : memref<128xf32, #tpu.memory_space<vmem>>, vector<16xf32>,
    %swap3A_189 = vector.shape_cast %swap3A_188 : vector<16xf32> to vector<16xf32>
    %swap3A_190 = vector.shape_cast %broadcast_in_dim3A_162 : vector<16xf32> to vector<16xf32>
    tpu.vector_store %arg7[%swap3A_187], %swap3A_190 {strides = array<i32>} : memref<128xf32, #tpu.memory_space<vmem>>, vector<16xf32>,
    %swap3A_191 = arith.constant 112 : index
    %swap3A_192 = tpu.vector_load %arg7[%swap3A_191] {strides = array<i32>} : memref<128xf32, #tpu.memory_space<vmem>>, vector<16xf32>,
    %swap3A_193 = vector.shape_cast %swap3A_192 : vector<16xf32> to vector<16xf32>
    %swap3A_194 = vector.shape_cast %broadcast_in_dim3A_162 : vector<16xf32> to vector<16xf32>
    tpu.vector_store %arg7[%swap3A_191], %swap3A_194 {strides = array<i32>} : memref<128xf32, #tpu.memory_space<vmem>>, vector<16xf32>,
    %mul3A_195 = arith.constant 640 : i32
    %mul3A_196 = arith.muli %arg1, %mul3A_195 : i32
    "tpu.region"() ({
      %run_scoped3A_214 = tpu.sem_alloc : memref<!tpu.dma_semaphore, #tpu.memory_space<semaphore_mem>>
      %dma_start3A = tpu.memref_slice %arg9[%mul3A_196] : memref<10240xf32, #tpu.memory_space<vmem_shared>> -> memref<640xf32, #tpu.memory_space<vmem_shared>>
      %dma_start3A_215 = tpu.memref_slice %arg9[%mul3A_196] : memref<10240xf32, #tpu.memory_space<vmem_shared>> -> memref<640xf32, #tpu.memory_space<vmem_shared>>
      tpu.enqueue_dma source(%arg8 : memref<640xf32, #tpu.memory_space<vmem>>) target(%dma_start3A_215 : memref<640xf32, #tpu.memory_space<vmem_shared>>) target_semaphore(%run_scoped3A_214 : memref<!tpu.dma_semaphore, #tpu.memory_space<semaphore_mem>>)
      %dma_wait3A = tpu.memref_slice %arg9[%mul3A_196] : memref<10240xf32, #tpu.memory_space<vmem_shared>> -> memref<640xf32, #tpu.memory_space<vmem_shared>>
      %dma_wait3A_216 = tpu.memref_slice %arg9[%mul3A_196] : memref<10240xf32, #tpu.memory_space<vmem_shared>> -> memref<640xf32, #tpu.memory_space<vmem_shared>>
      tpu.wait_dma2 semaphore(%run_scoped3A_214 : memref<!tpu.dma_semaphore, #tpu.memory_space<semaphore_mem>>) src(%arg8 : memref<640xf32, #tpu.memory_space<vmem>>) dst(%dma_wait3A_216 : memref<640xf32, #tpu.memory_space<vmem_shared>>)
      tpu.yield
    }) : () -> ()
    %mul3A_197 = arith.constant 640 : i32
    %mul3A_198 = arith.muli %arg1, %mul3A_197 : i32
    "tpu.region"() ({
      %run_scoped3A_214 = tpu.sem_alloc : memref<!tpu.dma_semaphore, #tpu.memory_space<semaphore_mem>>
      %dma_start3A = tpu.memref_slice %arg10[%mul3A_198] : memref<10240xf32, #tpu.memory_space<vmem_shared>> -> memref<640xf32, #tpu.memory_space<vmem_shared>>
      %dma_start3A_215 = tpu.memref_slice %arg10[%mul3A_198] : memref<10240xf32, #tpu.memory_space<vmem_shared>> -> memref<640xf32, #tpu.memory_space<vmem_shared>>
      tpu.enqueue_dma source(%arg8 : memref<640xf32, #tpu.memory_space<vmem>>) target(%dma_start3A_215 : memref<640xf32, #tpu.memory_space<vmem_shared>>) target_semaphore(%run_scoped3A_214 : memref<!tpu.dma_semaphore, #tpu.memory_space<semaphore_mem>>)
      %dma_wait3A = tpu.memref_slice %arg10[%mul3A_198] : memref<10240xf32, #tpu.memory_space<vmem_shared>> -> memref<640xf32, #tpu.memory_space<vmem_shared>>
      %dma_wait3A_216 = tpu.memref_slice %arg10[%mul3A_198] : memref<10240xf32, #tpu.memory_space<vmem_shared>> -> memref<640xf32, #tpu.memory_space<vmem_shared>>
      tpu.wait_dma2 semaphore(%run_scoped3A_214 : memref<!tpu.dma_semaphore, #tpu.memory_space<semaphore_mem>>) src(%arg8 : memref<640xf32, #tpu.memory_space<vmem>>) dst(%dma_wait3A_216 : memref<640xf32, #tpu.memory_space<vmem_shared>>)
      tpu.yield
    }) : () -> ()
    %barrier3A = arith.constant 0 : index
    tpu.barrier barrier_id(%barrier3A)
    "tpu.region"() ({
      %run_scoped3A_214 = tpu.sem_alloc : memref<!tpu.dma_semaphore, #tpu.memory_space<semaphore_mem>>
      %dma_start3A = arith.constant 0 : i32
      %dma_start3A_215 = arith.constant 0 : i32
      %dma_start3A_216 = tpu.memref_slice %arg2[%add3A, %dma_start3A, %dma_start3A_215] : memref<32x80x128xi32, #tpu.memory_space<hbm>> -> memref<1x80x128xi32, #tpu.memory_space<hbm>>
      %dma_start3A_217 = tpu.memref_squeeze %dma_start3A_216 : memref<1x80x128xi32, #tpu.memory_space<hbm>> -> memref<80x128xi32, #tpu.memory_space<hbm>>
      %dma_start3A_218 = arith.constant 0 : i32
      %dma_start3A_219 = arith.constant 0 : i32
      %dma_start3A_220 = tpu.memref_slice %arg2[%add3A, %dma_start3A_218, %dma_start3A_219] : memref<32x80x128xi32, #tpu.memory_space<hbm>> -> memref<1x80x128xi32, #tpu.memory_space<hbm>>
      %dma_start3A_221 = tpu.memref_squeeze %dma_start3A_220 : memref<1x80x128xi32, #tpu.memory_space<hbm>> -> memref<80x128xi32, #tpu.memory_space<hbm>>
      tpu.enqueue_dma source(%dma_start3A_221 : memref<80x128xi32, #tpu.memory_space<hbm>>) target(%arg5 : memref<80x128xi32, #tpu.memory_space<vmem>>) target_semaphore(%run_scoped3A_214 : memref<!tpu.dma_semaphore, #tpu.memory_space<semaphore_mem>>)
      %dma_wait3A = arith.constant 0 : i32
      %dma_wait3A_222 = arith.constant 0 : i32
      %dma_wait3A_223 = tpu.memref_slice %arg2[%add3A, %dma_wait3A, %dma_wait3A_222] : memref<32x80x128xi32, #tpu.memory_space<hbm>> -> memref<1x80x128xi32, #tpu.memory_space<hbm>>
      %dma_wait3A_224 = tpu.memref_squeeze %dma_wait3A_223 : memref<1x80x128xi32, #tpu.memory_space<hbm>> -> memref<80x128xi32, #tpu.memory_space<hbm>>
      %dma_wait3A_225 = arith.constant 0 : i32
      %dma_wait3A_226 = arith.constant 0 : i32
      %dma_wait3A_227 = tpu.memref_slice %arg2[%add3A, %dma_wait3A_225, %dma_wait3A_226] : memref<32x80x128xi32, #tpu.memory_space<hbm>> -> memref<1x80x128xi32, #tpu.memory_space<hbm>>
      %dma_wait3A_228 = tpu.memref_squeeze %dma_wait3A_227 : memref<1x80x128xi32, #tpu.memory_space<hbm>> -> memref<80x128xi32, #tpu.memory_space<hbm>>
      tpu.wait_dma2 semaphore(%run_scoped3A_214 : memref<!tpu.dma_semaphore, #tpu.memory_space<semaphore_mem>>) src(%dma_wait3A_228 : memref<80x128xi32, #tpu.memory_space<hbm>>) dst(%arg5 : memref<80x128xi32, #tpu.memory_space<vmem>>)
      tpu.yield
    }) : () -> ()
    "tpu.region"() ({
      %run_scoped3A_214 = tpu.sem_alloc : memref<!tpu.dma_semaphore, #tpu.memory_space<semaphore_mem>>
      %dma_start3A = arith.constant 0 : i32
      %dma_start3A_215 = arith.constant 0 : i32
      %dma_start3A_216 = tpu.memref_slice %arg3[%add3A, %dma_start3A, %dma_start3A_215] : memref<32x80x128xi32, #tpu.memory_space<hbm>> -> memref<1x80x128xi32, #tpu.memory_space<hbm>>
      %dma_start3A_217 = tpu.memref_squeeze %dma_start3A_216 : memref<1x80x128xi32, #tpu.memory_space<hbm>> -> memref<80x128xi32, #tpu.memory_space<hbm>>
      %dma_start3A_218 = arith.constant 0 : i32
      %dma_start3A_219 = arith.constant 0 : i32
      %dma_start3A_220 = tpu.memref_slice %arg3[%add3A, %dma_start3A_218, %dma_start3A_219] : memref<32x80x128xi32, #tpu.memory_space<hbm>> -> memref<1x80x128xi32, #tpu.memory_space<hbm>>
      %dma_start3A_221 = tpu.memref_squeeze %dma_start3A_220 : memref<1x80x128xi32, #tpu.memory_space<hbm>> -> memref<80x128xi32, #tpu.memory_space<hbm>>
      tpu.enqueue_dma source(%dma_start3A_221 : memref<80x128xi32, #tpu.memory_space<hbm>>) target(%arg6 : memref<80x128xi32, #tpu.memory_space<vmem>>) target_semaphore(%run_scoped3A_214 : memref<!tpu.dma_semaphore, #tpu.memory_space<semaphore_mem>>)
      %dma_wait3A = arith.constant 0 : i32
      %dma_wait3A_222 = arith.constant 0 : i32
      %dma_wait3A_223 = tpu.memref_slice %arg3[%add3A, %dma_wait3A, %dma_wait3A_222] : memref<32x80x128xi32, #tpu.memory_space<hbm>> -> memref<1x80x128xi32, #tpu.memory_space<hbm>>
      %dma_wait3A_224 = tpu.memref_squeeze %dma_wait3A_223 : memref<1x80x128xi32, #tpu.memory_space<hbm>> -> memref<80x128xi32, #tpu.memory_space<hbm>>
      %dma_wait3A_225 = arith.constant 0 : i32
      %dma_wait3A_226 = arith.constant 0 : i32
      %dma_wait3A_227 = tpu.memref_slice %arg3[%add3A, %dma_wait3A_225, %dma_wait3A_226] : memref<32x80x128xi32, #tpu.memory_space<hbm>> -> memref<1x80x128xi32, #tpu.memory_space<hbm>>
      %dma_wait3A_228 = tpu.memref_squeeze %dma_wait3A_227 : memref<1x80x128xi32, #tpu.memory_space<hbm>> -> memref<80x128xi32, #tpu.memory_space<hbm>>
      tpu.wait_dma2 semaphore(%run_scoped3A_214 : memref<!tpu.dma_semaphore, #tpu.memory_space<semaphore_mem>>) src(%dma_wait3A_228 : memref<80x128xi32, #tpu.memory_space<hbm>>) dst(%arg6 : memref<80x128xi32, #tpu.memory_space<vmem>>)
      tpu.yield
    }) : () -> ()
    %scan3A = arith.constant 0 : i32
    %scan3A_199 = arith.constant 0 : i32
    %scan3A_200 = arith.constant 80 : i32
    %scan3A_201 = arith.addi %scan3A_199, %scan3A_200 : i32
    %scan3A_202 = arith.constant 1 : i32
    scf.for %scan3A_214 = %scan3A_199 to %scan3A_201 step %scan3A_202  : i32 {
      "tpu.region"() ({
        %run_scoped3A_215 = tpu.sem_alloc : memref<!tpu.dma_semaphore, #tpu.memory_space<semaphore_mem>>
        %dma_start3A = arith.constant 0 : i32
        %dma_start3A_216 = tpu.memref_slice %arg5[%scan3A_214, %dma_start3A] : memref<80x128xi32, #tpu.memory_space<vmem>> -> memref<1x128xi32, #tpu.memory_space<vmem>>
        %dma_start3A_217 = tpu.memref_squeeze %dma_start3A_216 : memref<1x128xi32, #tpu.memory_space<vmem>> -> memref<128xi32, #tpu.memory_space<vmem>>
        %dma_start3A_218 = arith.constant 0 : i32
        %dma_start3A_219 = tpu.memref_slice %arg9[%dma_start3A_218] : memref<10240xf32, #tpu.memory_space<vmem_shared>> -> memref<10240xf32, #tpu.memory_space<vmem_shared>>
        tpu.enqueue_indirect_dma source(%arg7 : memref<128xf32, #tpu.memory_space<vmem>>) target(%dma_start3A_219 : memref<10240xf32, #tpu.memory_space<vmem_shared>>) offsets(%dma_start3A_217 : memref<128xi32, #tpu.memory_space<vmem>>) semaphore(%run_scoped3A_215 : memref<!tpu.dma_semaphore, #tpu.memory_space<semaphore_mem>>) {add = true}
        %dma_wait3A = arith.constant 0 : i32
        %dma_wait3A_220 = tpu.memref_slice %arg5[%scan3A_214, %dma_wait3A] : memref<80x128xi32, #tpu.memory_space<vmem>> -> memref<1x128xi32, #tpu.memory_space<vmem>>
        %dma_wait3A_221 = tpu.memref_squeeze %dma_wait3A_220 : memref<1x128xi32, #tpu.memory_space<vmem>> -> memref<128xi32, #tpu.memory_space<vmem>>
        %dma_wait3A_222 = arith.constant 0 : i32
        %dma_wait3A_223 = tpu.memref_slice %arg9[%dma_wait3A_222] : memref<10240xf32, #tpu.memory_space<vmem_shared>> -> memref<10240xf32, #tpu.memory_space<vmem_shared>>
        tpu.wait_indirect_dma semaphore(%run_scoped3A_215 : memref<!tpu.dma_semaphore, #tpu.memory_space<semaphore_mem>>) src(%arg7 : memref<128xf32, #tpu.memory_space<vmem>>) dst(%dma_wait3A_223 : memref<10240xf32, #tpu.memory_space<vmem_shared>>)
        tpu.yield
      }) : () -> ()
      "tpu.region"() ({
        %run_scoped3A_215 = tpu.sem_alloc : memref<!tpu.dma_semaphore, #tpu.memory_space<semaphore_mem>>
        %dma_start3A = arith.constant 0 : i32
        %dma_start3A_216 = tpu.memref_slice %arg6[%scan3A_214, %dma_start3A] : memref<80x128xi32, #tpu.memory_space<vmem>> -> memref<1x128xi32, #tpu.memory_space<vmem>>
        %dma_start3A_217 = tpu.memref_squeeze %dma_start3A_216 : memref<1x128xi32, #tpu.memory_space<vmem>> -> memref<128xi32, #tpu.memory_space<vmem>>
        %dma_start3A_218 = arith.constant 0 : i32
        %dma_start3A_219 = tpu.memref_slice %arg10[%dma_start3A_218] : memref<10240xf32, #tpu.memory_space<vmem_shared>> -> memref<10240xf32, #tpu.memory_space<vmem_shared>>
        tpu.enqueue_indirect_dma source(%arg7 : memref<128xf32, #tpu.memory_space<vmem>>) target(%dma_start3A_219 : memref<10240xf32, #tpu.memory_space<vmem_shared>>) offsets(%dma_start3A_217 : memref<128xi32, #tpu.memory_space<vmem>>) semaphore(%run_scoped3A_215 : memref<!tpu.dma_semaphore, #tpu.memory_space<semaphore_mem>>) {add = true}
        %dma_wait3A = arith.constant 0 : i32
        %dma_wait3A_220 = tpu.memref_slice %arg6[%scan3A_214, %dma_wait3A] : memref<80x128xi32, #tpu.memory_space<vmem>> -> memref<1x128xi32, #tpu.memory_space<vmem>>
        %dma_wait3A_221 = tpu.memref_squeeze %dma_wait3A_220 : memref<1x128xi32, #tpu.memory_space<vmem>> -> memref<128xi32, #tpu.memory_space<vmem>>
        %dma_wait3A_222 = arith.constant 0 : i32
        %dma_wait3A_223 = tpu.memref_slice %arg10[%dma_wait3A_222] : memref<10240xf32, #tpu.memory_space<vmem_shared>> -> memref<10240xf32, #tpu.memory_space<vmem_shared>>
        tpu.wait_indirect_dma semaphore(%run_scoped3A_215 : memref<!tpu.dma_semaphore, #tpu.memory_space<semaphore_mem>>) src(%arg7 : memref<128xf32, #tpu.memory_space<vmem>>) dst(%dma_wait3A_223 : memref<10240xf32, #tpu.memory_space<vmem_shared>>)
        tpu.yield
      }) : () -> ()
    }
    %scan3A_203 = arith.constant 80 : i32
    %barrier3A_204 = arith.constant 0 : index
    tpu.barrier barrier_id(%barrier3A_204)
    %mul3A_205 = arith.constant 640 : i32
    %mul3A_206 = arith.muli %arg1, %mul3A_205 : i32
    %mul3A_207 = arith.constant 640 : i32
    %mul3A_208 = arith.muli %arg1, %mul3A_207 : i32
    %run_scoped3A = arith.constant 0 : i32
    "tpu.region"() ({
      %run_scoped3A_214 = tpu.sem_alloc : memref<!tpu.dma_semaphore, #tpu.memory_space<semaphore_mem>>
      %dma_start3A = tpu.memref_slice %arg4[%arg0, %run_scoped3A, %mul3A_208] : memref<2x2x10240xf32, #tpu.memory_space<hbm>> -> memref<1x1x640xf32, #tpu.memory_space<hbm>>
      %dma_start3A_215 = tpu.memref_squeeze %dma_start3A : memref<1x1x640xf32, #tpu.memory_space<hbm>> -> memref<640xf32, #tpu.memory_space<hbm>>
      %dma_start3A_216 = tpu.memref_slice %arg9[%mul3A_206] : memref<10240xf32, #tpu.memory_space<vmem_shared>> -> memref<640xf32, #tpu.memory_space<vmem_shared>>
      tpu.enqueue_dma source(%dma_start3A_216 : memref<640xf32, #tpu.memory_space<vmem_shared>>) target(%dma_start3A_215 : memref<640xf32, #tpu.memory_space<hbm>>) target_semaphore(%run_scoped3A_214 : memref<!tpu.dma_semaphore, #tpu.memory_space<semaphore_mem>>)
      %dma_wait3A = tpu.memref_slice %arg4[%arg0, %run_scoped3A, %mul3A_208] : memref<2x2x10240xf32, #tpu.memory_space<hbm>> -> memref<1x1x640xf32, #tpu.memory_space<hbm>>
      %dma_wait3A_217 = tpu.memref_squeeze %dma_wait3A : memref<1x1x640xf32, #tpu.memory_space<hbm>> -> memref<640xf32, #tpu.memory_space<hbm>>
      %dma_wait3A_218 = tpu.memref_slice %arg9[%mul3A_206] : memref<10240xf32, #tpu.memory_space<vmem_shared>> -> memref<640xf32, #tpu.memory_space<vmem_shared>>
      tpu.wait_dma2 semaphore(%run_scoped3A_214 : memref<!tpu.dma_semaphore, #tpu.memory_space<semaphore_mem>>) src(%dma_wait3A_218 : memref<640xf32, #tpu.memory_space<vmem_shared>>) dst(%dma_wait3A_217 : memref<640xf32, #tpu.memory_space<hbm>>)
      tpu.yield
    }) : () -> ()
    %mul3A_209 = arith.constant 640 : i32
    %mul3A_210 = arith.muli %arg1, %mul3A_209 : i32
    %mul3A_211 = arith.constant 640 : i32
    %mul3A_212 = arith.muli %arg1, %mul3A_211 : i32
    %run_scoped3A_213 = arith.constant 1 : i32
    "tpu.region"() ({
      %run_scoped3A_214 = tpu.sem_alloc : memref<!tpu.dma_semaphore, #tpu.memory_space<semaphore_mem>>
      %dma_start3A = tpu.memref_slice %arg4[%arg0, %run_scoped3A_213, %mul3A_212] : memref<2x2x10240xf32, #tpu.memory_space<hbm>> -> memref<1x1x640xf32, #tpu.memory_space<hbm>>
      %dma_start3A_215 = tpu.memref_squeeze %dma_start3A : memref<1x1x640xf32, #tpu.memory_space<hbm>> -> memref<640xf32, #tpu.memory_space<hbm>>
      %dma_start3A_216 = tpu.memref_slice %arg10[%mul3A_210] : memref<10240xf32, #tpu.memory_space<vmem_shared>> -> memref<640xf32, #tpu.memory_space<vmem_shared>>
      tpu.enqueue_dma source(%dma_start3A_216 : memref<640xf32, #tpu.memory_space<vmem_shared>>) target(%dma_start3A_215 : memref<640xf32, #tpu.memory_space<hbm>>) target_semaphore(%run_scoped3A_214 : memref<!tpu.dma_semaphore, #tpu.memory_space<semaphore_mem>>)
      %dma_wait3A = tpu.memref_slice %arg4[%arg0, %run_scoped3A_213, %mul3A_212] : memref<2x2x10240xf32, #tpu.memory_space<hbm>> -> memref<1x1x640xf32, #tpu.memory_space<hbm>>
      %dma_wait3A_217 = tpu.memref_squeeze %dma_wait3A : memref<1x1x640xf32, #tpu.memory_space<hbm>> -> memref<640xf32, #tpu.memory_space<hbm>>
      %dma_wait3A_218 = tpu.memref_slice %arg10[%mul3A_210] : memref<10240xf32, #tpu.memory_space<vmem_shared>> -> memref<640xf32, #tpu.memory_space<vmem_shared>>
      tpu.wait_dma2 semaphore(%run_scoped3A_214 : memref<!tpu.dma_semaphore, #tpu.memory_space<semaphore_mem>>) src(%dma_wait3A_218 : memref<640xf32, #tpu.memory_space<vmem_shared>>) dst(%dma_wait3A_217 : memref<640xf32, #tpu.memory_space<hbm>>)
      tpu.yield
    }) : () -> ()
    return
  }
}

#map = affine_map<(d0, d1) -> (0, 0, 0)>
#map1 = affine_map<(d0, d1) -> (0, 0)>
module attributes {stable_mosaic.version = 14 : i64} {
  func.func @scatter_kernel(%arg0: i32, %arg1: i32, %arg2: memref<32x80x128xi32, #tpu.memory_space<hbm>>, %arg3: memref<32x80x128xi32, #tpu.memory_space<hbm>>, %arg4: memref<10008x128xf32, #tpu.memory_space<hbm>>, %arg5: memref<2x10240x128xf32, #tpu.memory_space<hbm>>, %arg6: memref<80x128xi32, #tpu.memory_space<vmem>>, %arg7: memref<80x128xi32, #tpu.memory_space<vmem>>, %arg8: memref<128x128xf32, #tpu.memory_space<vmem>>, %arg9: memref<10240x128xf32, #tpu.memory_space<vmem_shared>>, %arg10: memref<!tpu.dma_semaphore, #tpu.memory_space<semaphore_mem>>) attributes {dimension_semantics = [#tpu.dimension_semantics<core_parallel>, #tpu.dimension_semantics<subcore_parallel>], iteration_bounds = array<i64: 2, 16>, scalar_prefetch = 0 : i64, scratch_operands = 5 : i64, tpu.core_type = #tpu.core_type<sc_vector_subcore>, window_params = [{transform_indices = #map}, {transform_indices = #map}, {transform_indices = #map1}, {transform_indices = #map}]} {
    %mul3A = arith.constant 16 : i32
    %mul3A_0 = arith.muli %arg0, %mul3A : i32
    %add3A = arith.addi %mul3A_0, %arg1 : i32
    %broadcast_in_dim3A = arith.constant 0.000000e+00 : f32
    %broadcast_in_dim3A_1 = vector.broadcast %broadcast_in_dim3A : f32 to vector<16xf32>
    %scan3A = arith.constant 0 : i32
    %scan3A_2 = arith.constant 0 : i32
    %scan3A_3 = arith.constant 128 : i32
    %scan3A_4 = arith.addi %scan3A_2, %scan3A_3 : i32
    %scan3A_5 = arith.constant 1 : i32
    scf.for %scan3A_38 = %scan3A_2 to %scan3A_4 step %scan3A_5  : i32 {
      %swap3A = arith.index_cast %scan3A_38 : i32 to index
      %swap3A_39 = arith.constant 0 : index
      %swap3A_40 = tpu.vector_load %arg8[%swap3A, %swap3A_39] {strides = array<i32>} : memref<128x128xf32, #tpu.memory_space<vmem>>, vector<1x16xf32>,
      %swap3A_41 = vector.shape_cast %swap3A_40 : vector<1x16xf32> to vector<16xf32>
      %swap3A_42 = vector.shape_cast %broadcast_in_dim3A_1 : vector<16xf32> to vector<1x16xf32>
      tpu.vector_store %arg8[%swap3A, %swap3A_39], %swap3A_42 {strides = array<i32>} : memref<128x128xf32, #tpu.memory_space<vmem>>, vector<1x16xf32>,
      %swap3A_43 = arith.index_cast %scan3A_38 : i32 to index
      %swap3A_44 = arith.constant 16 : index
      %swap3A_45 = tpu.vector_load %arg8[%swap3A_43, %swap3A_44] {strides = array<i32>} : memref<128x128xf32, #tpu.memory_space<vmem>>, vector<1x16xf32>,
      %swap3A_46 = vector.shape_cast %swap3A_45 : vector<1x16xf32> to vector<16xf32>
      %swap3A_47 = vector.shape_cast %broadcast_in_dim3A_1 : vector<16xf32> to vector<1x16xf32>
      tpu.vector_store %arg8[%swap3A_43, %swap3A_44], %swap3A_47 {strides = array<i32>} : memref<128x128xf32, #tpu.memory_space<vmem>>, vector<1x16xf32>,
      %swap3A_48 = arith.index_cast %scan3A_38 : i32 to index
      %swap3A_49 = arith.constant 32 : index
      %swap3A_50 = tpu.vector_load %arg8[%swap3A_48, %swap3A_49] {strides = array<i32>} : memref<128x128xf32, #tpu.memory_space<vmem>>, vector<1x16xf32>,
      %swap3A_51 = vector.shape_cast %swap3A_50 : vector<1x16xf32> to vector<16xf32>
      %swap3A_52 = vector.shape_cast %broadcast_in_dim3A_1 : vector<16xf32> to vector<1x16xf32>
      tpu.vector_store %arg8[%swap3A_48, %swap3A_49], %swap3A_52 {strides = array<i32>} : memref<128x128xf32, #tpu.memory_space<vmem>>, vector<1x16xf32>,
      %swap3A_53 = arith.index_cast %scan3A_38 : i32 to index
      %swap3A_54 = arith.constant 48 : index
      %swap3A_55 = tpu.vector_load %arg8[%swap3A_53, %swap3A_54] {strides = array<i32>} : memref<128x128xf32, #tpu.memory_space<vmem>>, vector<1x16xf32>,
      %swap3A_56 = vector.shape_cast %swap3A_55 : vector<1x16xf32> to vector<16xf32>
      %swap3A_57 = vector.shape_cast %broadcast_in_dim3A_1 : vector<16xf32> to vector<1x16xf32>
      tpu.vector_store %arg8[%swap3A_53, %swap3A_54], %swap3A_57 {strides = array<i32>} : memref<128x128xf32, #tpu.memory_space<vmem>>, vector<1x16xf32>,
      %swap3A_58 = arith.index_cast %scan3A_38 : i32 to index
      %swap3A_59 = arith.constant 64 : index
      %swap3A_60 = tpu.vector_load %arg8[%swap3A_58, %swap3A_59] {strides = array<i32>} : memref<128x128xf32, #tpu.memory_space<vmem>>, vector<1x16xf32>,
      %swap3A_61 = vector.shape_cast %swap3A_60 : vector<1x16xf32> to vector<16xf32>
      %swap3A_62 = vector.shape_cast %broadcast_in_dim3A_1 : vector<16xf32> to vector<1x16xf32>
      tpu.vector_store %arg8[%swap3A_58, %swap3A_59], %swap3A_62 {strides = array<i32>} : memref<128x128xf32, #tpu.memory_space<vmem>>, vector<1x16xf32>,
      %swap3A_63 = arith.index_cast %scan3A_38 : i32 to index
      %swap3A_64 = arith.constant 80 : index
      %swap3A_65 = tpu.vector_load %arg8[%swap3A_63, %swap3A_64] {strides = array<i32>} : memref<128x128xf32, #tpu.memory_space<vmem>>, vector<1x16xf32>,
      %swap3A_66 = vector.shape_cast %swap3A_65 : vector<1x16xf32> to vector<16xf32>
      %swap3A_67 = vector.shape_cast %broadcast_in_dim3A_1 : vector<16xf32> to vector<1x16xf32>
      tpu.vector_store %arg8[%swap3A_63, %swap3A_64], %swap3A_67 {strides = array<i32>} : memref<128x128xf32, #tpu.memory_space<vmem>>, vector<1x16xf32>,
      %swap3A_68 = arith.index_cast %scan3A_38 : i32 to index
      %swap3A_69 = arith.constant 96 : index
      %swap3A_70 = tpu.vector_load %arg8[%swap3A_68, %swap3A_69] {strides = array<i32>} : memref<128x128xf32, #tpu.memory_space<vmem>>, vector<1x16xf32>,
      %swap3A_71 = vector.shape_cast %swap3A_70 : vector<1x16xf32> to vector<16xf32>
      %swap3A_72 = vector.shape_cast %broadcast_in_dim3A_1 : vector<16xf32> to vector<1x16xf32>
      tpu.vector_store %arg8[%swap3A_68, %swap3A_69], %swap3A_72 {strides = array<i32>} : memref<128x128xf32, #tpu.memory_space<vmem>>, vector<1x16xf32>,
      %swap3A_73 = arith.index_cast %scan3A_38 : i32 to index
      %swap3A_74 = arith.constant 112 : index
      %swap3A_75 = tpu.vector_load %arg8[%swap3A_73, %swap3A_74] {strides = array<i32>} : memref<128x128xf32, #tpu.memory_space<vmem>>, vector<1x16xf32>,
      %swap3A_76 = vector.shape_cast %swap3A_75 : vector<1x16xf32> to vector<16xf32>
      %swap3A_77 = vector.shape_cast %broadcast_in_dim3A_1 : vector<16xf32> to vector<1x16xf32>
      tpu.vector_store %arg8[%swap3A_73, %swap3A_74], %swap3A_77 {strides = array<i32>} : memref<128x128xf32, #tpu.memory_space<vmem>>, vector<1x16xf32>,
    }
    %scan3A_6 = arith.constant 128 : i32
    %mul3A_7 = arith.constant 640 : i32
    %mul3A_8 = arith.muli %arg1, %mul3A_7 : i32
    %add3A_9 = arith.constant 0 : i32
    %add3A_10 = arith.addi %mul3A_8, %add3A_9 : i32
    "tpu.region"() ({
      %run_scoped3A = tpu.sem_alloc : memref<!tpu.dma_semaphore, #tpu.memory_space<semaphore_mem>>
      %dma_start3A = arith.constant 0 : i32
      %dma_start3A_38 = tpu.memref_slice %arg9[%add3A_10, %dma_start3A] : memref<10240x128xf32, #tpu.memory_space<vmem_shared>> -> memref<128x128xf32, #tpu.memory_space<vmem_shared>>
      %dma_start3A_39 = arith.constant 0 : i32
      %dma_start3A_40 = tpu.memref_slice %arg9[%add3A_10, %dma_start3A_39] : memref<10240x128xf32, #tpu.memory_space<vmem_shared>> -> memref<128x128xf32, #tpu.memory_space<vmem_shared>>
      tpu.enqueue_dma source(%arg8 : memref<128x128xf32, #tpu.memory_space<vmem>>) target(%dma_start3A_40 : memref<128x128xf32, #tpu.memory_space<vmem_shared>>) target_semaphore(%run_scoped3A : memref<!tpu.dma_semaphore, #tpu.memory_space<semaphore_mem>>)
      %dma_wait3A = arith.constant 0 : i32
      %dma_wait3A_41 = tpu.memref_slice %arg9[%add3A_10, %dma_wait3A] : memref<10240x128xf32, #tpu.memory_space<vmem_shared>> -> memref<128x128xf32, #tpu.memory_space<vmem_shared>>
      %dma_wait3A_42 = arith.constant 0 : i32
      %dma_wait3A_43 = tpu.memref_slice %arg9[%add3A_10, %dma_wait3A_42] : memref<10240x128xf32, #tpu.memory_space<vmem_shared>> -> memref<128x128xf32, #tpu.memory_space<vmem_shared>>
      tpu.wait_dma2 semaphore(%run_scoped3A : memref<!tpu.dma_semaphore, #tpu.memory_space<semaphore_mem>>) src(%arg8 : memref<128x128xf32, #tpu.memory_space<vmem>>) dst(%dma_wait3A_43 : memref<128x128xf32, #tpu.memory_space<vmem_shared>>)
      tpu.yield
    }) : () -> ()
    %mul3A_11 = arith.constant 640 : i32
    %mul3A_12 = arith.muli %arg1, %mul3A_11 : i32
    %add3A_13 = arith.constant 128 : i32
    %add3A_14 = arith.addi %mul3A_12, %add3A_13 : i32
    "tpu.region"() ({
      %run_scoped3A = tpu.sem_alloc : memref<!tpu.dma_semaphore, #tpu.memory_space<semaphore_mem>>
      %dma_start3A = arith.constant 0 : i32
      %dma_start3A_38 = tpu.memref_slice %arg9[%add3A_14, %dma_start3A] : memref<10240x128xf32, #tpu.memory_space<vmem_shared>> -> memref<128x128xf32, #tpu.memory_space<vmem_shared>>
      %dma_start3A_39 = arith.constant 0 : i32
      %dma_start3A_40 = tpu.memref_slice %arg9[%add3A_14, %dma_start3A_39] : memref<10240x128xf32, #tpu.memory_space<vmem_shared>> -> memref<128x128xf32, #tpu.memory_space<vmem_shared>>
      tpu.enqueue_dma source(%arg8 : memref<128x128xf32, #tpu.memory_space<vmem>>) target(%dma_start3A_40 : memref<128x128xf32, #tpu.memory_space<vmem_shared>>) target_semaphore(%run_scoped3A : memref<!tpu.dma_semaphore, #tpu.memory_space<semaphore_mem>>)
      %dma_wait3A = arith.constant 0 : i32
      %dma_wait3A_41 = tpu.memref_slice %arg9[%add3A_14, %dma_wait3A] : memref<10240x128xf32, #tpu.memory_space<vmem_shared>> -> memref<128x128xf32, #tpu.memory_space<vmem_shared>>
      %dma_wait3A_42 = arith.constant 0 : i32
      %dma_wait3A_43 = tpu.memref_slice %arg9[%add3A_14, %dma_wait3A_42] : memref<10240x128xf32, #tpu.memory_space<vmem_shared>> -> memref<128x128xf32, #tpu.memory_space<vmem_shared>>
      tpu.wait_dma2 semaphore(%run_scoped3A : memref<!tpu.dma_semaphore, #tpu.memory_space<semaphore_mem>>) src(%arg8 : memref<128x128xf32, #tpu.memory_space<vmem>>) dst(%dma_wait3A_43 : memref<128x128xf32, #tpu.memory_space<vmem_shared>>)
      tpu.yield
    }) : () -> ()
    %mul3A_15 = arith.constant 640 : i32
    %mul3A_16 = arith.muli %arg1, %mul3A_15 : i32
    %add3A_17 = arith.constant 256 : i32
    %add3A_18 = arith.addi %mul3A_16, %add3A_17 : i32
    "tpu.region"() ({
      %run_scoped3A = tpu.sem_alloc : memref<!tpu.dma_semaphore, #tpu.memory_space<semaphore_mem>>
      %dma_start3A = arith.constant 0 : i32
      %dma_start3A_38 = tpu.memref_slice %arg9[%add3A_18, %dma_start3A] : memref<10240x128xf32, #tpu.memory_space<vmem_shared>> -> memref<128x128xf32, #tpu.memory_space<vmem_shared>>
      %dma_start3A_39 = arith.constant 0 : i32
      %dma_start3A_40 = tpu.memref_slice %arg9[%add3A_18, %dma_start3A_39] : memref<10240x128xf32, #tpu.memory_space<vmem_shared>> -> memref<128x128xf32, #tpu.memory_space<vmem_shared>>
      tpu.enqueue_dma source(%arg8 : memref<128x128xf32, #tpu.memory_space<vmem>>) target(%dma_start3A_40 : memref<128x128xf32, #tpu.memory_space<vmem_shared>>) target_semaphore(%run_scoped3A : memref<!tpu.dma_semaphore, #tpu.memory_space<semaphore_mem>>)
      %dma_wait3A = arith.constant 0 : i32
      %dma_wait3A_41 = tpu.memref_slice %arg9[%add3A_18, %dma_wait3A] : memref<10240x128xf32, #tpu.memory_space<vmem_shared>> -> memref<128x128xf32, #tpu.memory_space<vmem_shared>>
      %dma_wait3A_42 = arith.constant 0 : i32
      %dma_wait3A_43 = tpu.memref_slice %arg9[%add3A_18, %dma_wait3A_42] : memref<10240x128xf32, #tpu.memory_space<vmem_shared>> -> memref<128x128xf32, #tpu.memory_space<vmem_shared>>
      tpu.wait_dma2 semaphore(%run_scoped3A : memref<!tpu.dma_semaphore, #tpu.memory_space<semaphore_mem>>) src(%arg8 : memref<128x128xf32, #tpu.memory_space<vmem>>) dst(%dma_wait3A_43 : memref<128x128xf32, #tpu.memory_space<vmem_shared>>)
      tpu.yield
    }) : () -> ()
    %mul3A_19 = arith.constant 640 : i32
    %mul3A_20 = arith.muli %arg1, %mul3A_19 : i32
    %add3A_21 = arith.constant 384 : i32
    %add3A_22 = arith.addi %mul3A_20, %add3A_21 : i32
    "tpu.region"() ({
      %run_scoped3A = tpu.sem_alloc : memref<!tpu.dma_semaphore, #tpu.memory_space<semaphore_mem>>
      %dma_start3A = arith.constant 0 : i32
      %dma_start3A_38 = tpu.memref_slice %arg9[%add3A_22, %dma_start3A] : memref<10240x128xf32, #tpu.memory_space<vmem_shared>> -> memref<128x128xf32, #tpu.memory_space<vmem_shared>>
      %dma_start3A_39 = arith.constant 0 : i32
      %dma_start3A_40 = tpu.memref_slice %arg9[%add3A_22, %dma_start3A_39] : memref<10240x128xf32, #tpu.memory_space<vmem_shared>> -> memref<128x128xf32, #tpu.memory_space<vmem_shared>>
      tpu.enqueue_dma source(%arg8 : memref<128x128xf32, #tpu.memory_space<vmem>>) target(%dma_start3A_40 : memref<128x128xf32, #tpu.memory_space<vmem_shared>>) target_semaphore(%run_scoped3A : memref<!tpu.dma_semaphore, #tpu.memory_space<semaphore_mem>>)
      %dma_wait3A = arith.constant 0 : i32
      %dma_wait3A_41 = tpu.memref_slice %arg9[%add3A_22, %dma_wait3A] : memref<10240x128xf32, #tpu.memory_space<vmem_shared>> -> memref<128x128xf32, #tpu.memory_space<vmem_shared>>
      %dma_wait3A_42 = arith.constant 0 : i32
      %dma_wait3A_43 = tpu.memref_slice %arg9[%add3A_22, %dma_wait3A_42] : memref<10240x128xf32, #tpu.memory_space<vmem_shared>> -> memref<128x128xf32, #tpu.memory_space<vmem_shared>>
      tpu.wait_dma2 semaphore(%run_scoped3A : memref<!tpu.dma_semaphore, #tpu.memory_space<semaphore_mem>>) src(%arg8 : memref<128x128xf32, #tpu.memory_space<vmem>>) dst(%dma_wait3A_43 : memref<128x128xf32, #tpu.memory_space<vmem_shared>>)
      tpu.yield
    }) : () -> ()
    %mul3A_23 = arith.constant 640 : i32
    %mul3A_24 = arith.muli %arg1, %mul3A_23 : i32
    %add3A_25 = arith.constant 512 : i32
    %add3A_26 = arith.addi %mul3A_24, %add3A_25 : i32
    "tpu.region"() ({
      %run_scoped3A = tpu.sem_alloc : memref<!tpu.dma_semaphore, #tpu.memory_space<semaphore_mem>>
      %dma_start3A = arith.constant 0 : i32
      %dma_start3A_38 = tpu.memref_slice %arg9[%add3A_26, %dma_start3A] : memref<10240x128xf32, #tpu.memory_space<vmem_shared>> -> memref<128x128xf32, #tpu.memory_space<vmem_shared>>
      %dma_start3A_39 = arith.constant 0 : i32
      %dma_start3A_40 = tpu.memref_slice %arg9[%add3A_26, %dma_start3A_39] : memref<10240x128xf32, #tpu.memory_space<vmem_shared>> -> memref<128x128xf32, #tpu.memory_space<vmem_shared>>
      tpu.enqueue_dma source(%arg8 : memref<128x128xf32, #tpu.memory_space<vmem>>) target(%dma_start3A_40 : memref<128x128xf32, #tpu.memory_space<vmem_shared>>) target_semaphore(%run_scoped3A : memref<!tpu.dma_semaphore, #tpu.memory_space<semaphore_mem>>)
      %dma_wait3A = arith.constant 0 : i32
      %dma_wait3A_41 = tpu.memref_slice %arg9[%add3A_26, %dma_wait3A] : memref<10240x128xf32, #tpu.memory_space<vmem_shared>> -> memref<128x128xf32, #tpu.memory_space<vmem_shared>>
      %dma_wait3A_42 = arith.constant 0 : i32
      %dma_wait3A_43 = tpu.memref_slice %arg9[%add3A_26, %dma_wait3A_42] : memref<10240x128xf32, #tpu.memory_space<vmem_shared>> -> memref<128x128xf32, #tpu.memory_space<vmem_shared>>
      tpu.wait_dma2 semaphore(%run_scoped3A : memref<!tpu.dma_semaphore, #tpu.memory_space<semaphore_mem>>) src(%arg8 : memref<128x128xf32, #tpu.memory_space<vmem>>) dst(%dma_wait3A_43 : memref<128x128xf32, #tpu.memory_space<vmem_shared>>)
      tpu.yield
    }) : () -> ()
    %barrier3A = arith.constant 0 : index
    tpu.barrier barrier_id(%barrier3A)
    "tpu.region"() ({
      %run_scoped3A = tpu.sem_alloc : memref<!tpu.dma_semaphore, #tpu.memory_space<semaphore_mem>>
      %dma_start3A = arith.constant 0 : i32
      %dma_start3A_38 = arith.constant 0 : i32
      %dma_start3A_39 = tpu.memref_slice %arg2[%add3A, %dma_start3A, %dma_start3A_38] : memref<32x80x128xi32, #tpu.memory_space<hbm>> -> memref<1x80x128xi32, #tpu.memory_space<hbm>>
      %dma_start3A_40 = tpu.memref_squeeze %dma_start3A_39 : memref<1x80x128xi32, #tpu.memory_space<hbm>> -> memref<80x128xi32, #tpu.memory_space<hbm>>
      %dma_start3A_41 = arith.constant 0 : i32
      %dma_start3A_42 = arith.constant 0 : i32
      %dma_start3A_43 = tpu.memref_slice %arg2[%add3A, %dma_start3A_41, %dma_start3A_42] : memref<32x80x128xi32, #tpu.memory_space<hbm>> -> memref<1x80x128xi32, #tpu.memory_space<hbm>>
      %dma_start3A_44 = tpu.memref_squeeze %dma_start3A_43 : memref<1x80x128xi32, #tpu.memory_space<hbm>> -> memref<80x128xi32, #tpu.memory_space<hbm>>
      tpu.enqueue_dma source(%dma_start3A_44 : memref<80x128xi32, #tpu.memory_space<hbm>>) target(%arg6 : memref<80x128xi32, #tpu.memory_space<vmem>>) target_semaphore(%run_scoped3A : memref<!tpu.dma_semaphore, #tpu.memory_space<semaphore_mem>>)
      %dma_wait3A = arith.constant 0 : i32
      %dma_wait3A_45 = arith.constant 0 : i32
      %dma_wait3A_46 = tpu.memref_slice %arg2[%add3A, %dma_wait3A, %dma_wait3A_45] : memref<32x80x128xi32, #tpu.memory_space<hbm>> -> memref<1x80x128xi32, #tpu.memory_space<hbm>>
      %dma_wait3A_47 = tpu.memref_squeeze %dma_wait3A_46 : memref<1x80x128xi32, #tpu.memory_space<hbm>> -> memref<80x128xi32, #tpu.memory_space<hbm>>
      %dma_wait3A_48 = arith.constant 0 : i32
      %dma_wait3A_49 = arith.constant 0 : i32
      %dma_wait3A_50 = tpu.memref_slice %arg2[%add3A, %dma_wait3A_48, %dma_wait3A_49] : memref<32x80x128xi32, #tpu.memory_space<hbm>> -> memref<1x80x128xi32, #tpu.memory_space<hbm>>
      %dma_wait3A_51 = tpu.memref_squeeze %dma_wait3A_50 : memref<1x80x128xi32, #tpu.memory_space<hbm>> -> memref<80x128xi32, #tpu.memory_space<hbm>>
      tpu.wait_dma2 semaphore(%run_scoped3A : memref<!tpu.dma_semaphore, #tpu.memory_space<semaphore_mem>>) src(%dma_wait3A_51 : memref<80x128xi32, #tpu.memory_space<hbm>>) dst(%arg6 : memref<80x128xi32, #tpu.memory_space<vmem>>)
      tpu.yield
    }) : () -> ()
    "tpu.region"() ({
      %run_scoped3A = tpu.sem_alloc : memref<!tpu.dma_semaphore, #tpu.memory_space<semaphore_mem>>
      %dma_start3A = arith.constant 0 : i32
      %dma_start3A_38 = arith.constant 0 : i32
      %dma_start3A_39 = tpu.memref_slice %arg3[%add3A, %dma_start3A, %dma_start3A_38] : memref<32x80x128xi32, #tpu.memory_space<hbm>> -> memref<1x80x128xi32, #tpu.memory_space<hbm>>
      %dma_start3A_40 = tpu.memref_squeeze %dma_start3A_39 : memref<1x80x128xi32, #tpu.memory_space<hbm>> -> memref<80x128xi32, #tpu.memory_space<hbm>>
      %dma_start3A_41 = arith.constant 0 : i32
      %dma_start3A_42 = arith.constant 0 : i32
      %dma_start3A_43 = tpu.memref_slice %arg3[%add3A, %dma_start3A_41, %dma_start3A_42] : memref<32x80x128xi32, #tpu.memory_space<hbm>> -> memref<1x80x128xi32, #tpu.memory_space<hbm>>
      %dma_start3A_44 = tpu.memref_squeeze %dma_start3A_43 : memref<1x80x128xi32, #tpu.memory_space<hbm>> -> memref<80x128xi32, #tpu.memory_space<hbm>>
      tpu.enqueue_dma source(%dma_start3A_44 : memref<80x128xi32, #tpu.memory_space<hbm>>) target(%arg7 : memref<80x128xi32, #tpu.memory_space<vmem>>) target_semaphore(%run_scoped3A : memref<!tpu.dma_semaphore, #tpu.memory_space<semaphore_mem>>)
      %dma_wait3A = arith.constant 0 : i32
      %dma_wait3A_45 = arith.constant 0 : i32
      %dma_wait3A_46 = tpu.memref_slice %arg3[%add3A, %dma_wait3A, %dma_wait3A_45] : memref<32x80x128xi32, #tpu.memory_space<hbm>> -> memref<1x80x128xi32, #tpu.memory_space<hbm>>
      %dma_wait3A_47 = tpu.memref_squeeze %dma_wait3A_46 : memref<1x80x128xi32, #tpu.memory_space<hbm>> -> memref<80x128xi32, #tpu.memory_space<hbm>>
      %dma_wait3A_48 = arith.constant 0 : i32
      %dma_wait3A_49 = arith.constant 0 : i32
      %dma_wait3A_50 = tpu.memref_slice %arg3[%add3A, %dma_wait3A_48, %dma_wait3A_49] : memref<32x80x128xi32, #tpu.memory_space<hbm>> -> memref<1x80x128xi32, #tpu.memory_space<hbm>>
      %dma_wait3A_51 = tpu.memref_squeeze %dma_wait3A_50 : memref<1x80x128xi32, #tpu.memory_space<hbm>> -> memref<80x128xi32, #tpu.memory_space<hbm>>
      tpu.wait_dma2 semaphore(%run_scoped3A : memref<!tpu.dma_semaphore, #tpu.memory_space<semaphore_mem>>) src(%dma_wait3A_51 : memref<80x128xi32, #tpu.memory_space<hbm>>) dst(%arg7 : memref<80x128xi32, #tpu.memory_space<vmem>>)
      tpu.yield
    }) : () -> ()
    %scan3A_27 = arith.constant 0 : i32
    %scan3A_28 = arith.constant 0 : i32
    %scan3A_29 = arith.constant 80 : i32
    %scan3A_30 = arith.addi %scan3A_28, %scan3A_29 : i32
    %scan3A_31 = arith.constant 1 : i32
    scf.for %scan3A_38 = %scan3A_28 to %scan3A_30 step %scan3A_31  : i32 {
      %dma_start3A = arith.constant 0 : i32
      %dma_start3A_39 = tpu.memref_slice %arg6[%scan3A_38, %dma_start3A] : memref<80x128xi32, #tpu.memory_space<vmem>> -> memref<1x128xi32, #tpu.memory_space<vmem>>
      %dma_start3A_40 = tpu.memref_squeeze %dma_start3A_39 : memref<1x128xi32, #tpu.memory_space<vmem>> -> memref<128xi32, #tpu.memory_space<vmem>>
      %dma_start3A_41 = arith.constant 0 : i32
      %dma_start3A_42 = arith.constant 0 : i32
      %dma_start3A_43 = tpu.memref_slice %arg4[%dma_start3A_41, %dma_start3A_42] : memref<10008x128xf32, #tpu.memory_space<hbm>> -> memref<10008x128xf32, #tpu.memory_space<hbm>>
      tpu.enqueue_indirect_dma source(%dma_start3A_43 : memref<10008x128xf32, #tpu.memory_space<hbm>>) target(%arg8 : memref<128x128xf32, #tpu.memory_space<vmem>>) offsets(%dma_start3A_40 : memref<128xi32, #tpu.memory_space<vmem>>) semaphore(%arg10 : memref<!tpu.dma_semaphore, #tpu.memory_space<semaphore_mem>>)
      %dma_wait3A = arith.constant 0 : i32
      %dma_wait3A_44 = tpu.memref_slice %arg6[%scan3A_38, %dma_wait3A] : memref<80x128xi32, #tpu.memory_space<vmem>> -> memref<1x128xi32, #tpu.memory_space<vmem>>
      %dma_wait3A_45 = tpu.memref_squeeze %dma_wait3A_44 : memref<1x128xi32, #tpu.memory_space<vmem>> -> memref<128xi32, #tpu.memory_space<vmem>>
      %dma_wait3A_46 = arith.constant 0 : i32
      %dma_wait3A_47 = arith.constant 0 : i32
      %dma_wait3A_48 = tpu.memref_slice %arg4[%dma_wait3A_46, %dma_wait3A_47] : memref<10008x128xf32, #tpu.memory_space<hbm>> -> memref<10008x128xf32, #tpu.memory_space<hbm>>
      tpu.wait_indirect_dma semaphore(%arg10 : memref<!tpu.dma_semaphore, #tpu.memory_space<semaphore_mem>>) src(%dma_wait3A_48 : memref<10008x128xf32, #tpu.memory_space<hbm>>) dst(%arg8 : memref<128x128xf32, #tpu.memory_space<vmem>>)
      "tpu.region"() ({
        %run_scoped3A = tpu.sem_alloc : memref<!tpu.dma_semaphore, #tpu.memory_space<semaphore_mem>>
        %dma_start3A_49 = arith.constant 0 : i32
        %dma_start3A_50 = tpu.memref_slice %arg7[%scan3A_38, %dma_start3A_49] : memref<80x128xi32, #tpu.memory_space<vmem>> -> memref<1x128xi32, #tpu.memory_space<vmem>>
        %dma_start3A_51 = tpu.memref_squeeze %dma_start3A_50 : memref<1x128xi32, #tpu.memory_space<vmem>> -> memref<128xi32, #tpu.memory_space<vmem>>
        %dma_start3A_52 = arith.constant 0 : i32
        %dma_start3A_53 = arith.constant 0 : i32
        %dma_start3A_54 = tpu.memref_slice %arg9[%dma_start3A_52, %dma_start3A_53] : memref<10240x128xf32, #tpu.memory_space<vmem_shared>> -> memref<10240x128xf32, #tpu.memory_space<vmem_shared>>
        tpu.enqueue_indirect_dma source(%arg8 : memref<128x128xf32, #tpu.memory_space<vmem>>) target(%dma_start3A_54 : memref<10240x128xf32, #tpu.memory_space<vmem_shared>>) offsets(%dma_start3A_51 : memref<128xi32, #tpu.memory_space<vmem>>) semaphore(%run_scoped3A : memref<!tpu.dma_semaphore, #tpu.memory_space<semaphore_mem>>) {add = true}
        %dma_wait3A_55 = arith.constant 0 : i32
        %dma_wait3A_56 = tpu.memref_slice %arg7[%scan3A_38, %dma_wait3A_55] : memref<80x128xi32, #tpu.memory_space<vmem>> -> memref<1x128xi32, #tpu.memory_space<vmem>>
        %dma_wait3A_57 = tpu.memref_squeeze %dma_wait3A_56 : memref<1x128xi32, #tpu.memory_space<vmem>> -> memref<128xi32, #tpu.memory_space<vmem>>
        %dma_wait3A_58 = arith.constant 0 : i32
        %dma_wait3A_59 = arith.constant 0 : i32
        %dma_wait3A_60 = tpu.memref_slice %arg9[%dma_wait3A_58, %dma_wait3A_59] : memref<10240x128xf32, #tpu.memory_space<vmem_shared>> -> memref<10240x128xf32, #tpu.memory_space<vmem_shared>>
        tpu.wait_indirect_dma semaphore(%run_scoped3A : memref<!tpu.dma_semaphore, #tpu.memory_space<semaphore_mem>>) src(%arg8 : memref<128x128xf32, #tpu.memory_space<vmem>>) dst(%dma_wait3A_60 : memref<10240x128xf32, #tpu.memory_space<vmem_shared>>)
        tpu.yield
      }) : () -> ()
    }
    %scan3A_32 = arith.constant 80 : i32
    %barrier3A_33 = arith.constant 0 : index
    tpu.barrier barrier_id(%barrier3A_33)
    %mul3A_34 = arith.constant 640 : i32
    %mul3A_35 = arith.muli %arg1, %mul3A_34 : i32
    %mul3A_36 = arith.constant 640 : i32
    %mul3A_37 = arith.muli %arg1, %mul3A_36 : i32
    "tpu.region"() ({
      %run_scoped3A = tpu.sem_alloc : memref<!tpu.dma_semaphore, #tpu.memory_space<semaphore_mem>>
      %dma_start3A = arith.constant 0 : i32
      %dma_start3A_38 = tpu.memref_slice %arg5[%arg0, %mul3A_37, %dma_start3A] : memref<2x10240x128xf32, #tpu.memory_space<hbm>> -> memref<1x640x128xf32, #tpu.memory_space<hbm>>
      %dma_start3A_39 = tpu.memref_squeeze %dma_start3A_38 : memref<1x640x128xf32, #tpu.memory_space<hbm>> -> memref<640x128xf32, #tpu.memory_space<hbm>>
      %dma_start3A_40 = arith.constant 0 : i32
      %dma_start3A_41 = tpu.memref_slice %arg9[%mul3A_35, %dma_start3A_40] : memref<10240x128xf32, #tpu.memory_space<vmem_shared>> -> memref<640x128xf32, #tpu.memory_space<vmem_shared>>
      tpu.enqueue_dma source(%dma_start3A_41 : memref<640x128xf32, #tpu.memory_space<vmem_shared>>) target(%dma_start3A_39 : memref<640x128xf32, #tpu.memory_space<hbm>>) target_semaphore(%run_scoped3A : memref<!tpu.dma_semaphore, #tpu.memory_space<semaphore_mem>>)
      %dma_wait3A = arith.constant 0 : i32
      %dma_wait3A_42 = tpu.memref_slice %arg5[%arg0, %mul3A_37, %dma_wait3A] : memref<2x10240x128xf32, #tpu.memory_space<hbm>> -> memref<1x640x128xf32, #tpu.memory_space<hbm>>
      %dma_wait3A_43 = tpu.memref_squeeze %dma_wait3A_42 : memref<1x640x128xf32, #tpu.memory_space<hbm>> -> memref<640x128xf32, #tpu.memory_space<hbm>>
      %dma_wait3A_44 = arith.constant 0 : i32
      %dma_wait3A_45 = tpu.memref_slice %arg9[%mul3A_35, %dma_wait3A_44] : memref<10240x128xf32, #tpu.memory_space<vmem_shared>> -> memref<640x128xf32, #tpu.memory_space<vmem_shared>>
      tpu.wait_dma2 semaphore(%run_scoped3A : memref<!tpu.dma_semaphore, #tpu.memory_space<semaphore_mem>>) src(%dma_wait3A_45 : memref<640x128xf32, #tpu.memory_space<vmem_shared>>) dst(%dma_wait3A_43 : memref<640x128xf32, #tpu.memory_space<hbm>>)
      tpu.yield
    }) : () -> ()
    return
  }
}

module attributes {stable_mosaic.version = 14 : i64} {
  func.func @_prescale_body(%arg0: memref<10000x128xf32, #tpu.memory_space<vmem>>, %arg1: memref<2x2x10000xf32, #tpu.memory_space<vmem>>, %arg2: memref<10008x128xf32, #tpu.memory_space<vmem>>, %arg3: memref<10000x1xf32, #tpu.memory_space<vmem>>) attributes {dimension_semantics = [], scalar_prefetch = 0 : i64, scratch_operands = 0 : i64, tpu.core_type = #tpu.core_type<tc>} {
    %get3A = arith.constant 0 : index
    %get3A_0 = arith.constant 0 : index
    %get3A_1 = arith.constant 0 : index
    %get3A_2 = vector.load %arg1[%get3A, %get3A_0, %get3A_1] : memref<2x2x10000xf32, #tpu.memory_space<vmem>>, vector<1x1x10000xf32>
    %get3A_3 = vector.shape_cast %get3A_2 : vector<1x1x10000xf32> to vector<10000xf32>
    %get3A_4 = arith.constant 1 : index
    %get3A_5 = arith.constant 0 : index
    %get3A_6 = arith.constant 0 : index
    %get3A_7 = vector.load %arg1[%get3A_4, %get3A_5, %get3A_6] : memref<2x2x10000xf32, #tpu.memory_space<vmem>>, vector<1x1x10000xf32>
    %get3A_8 = vector.shape_cast %get3A_7 : vector<1x1x10000xf32> to vector<10000xf32>
    %add3A = arith.addf %get3A_3, %get3A_8 : vector<10000xf32>
    %get3A_9 = arith.constant 0 : index
    %get3A_10 = arith.constant 0 : index
    %get3A_11 = vector.load %arg0[%get3A_9, %get3A_10] : memref<10000x128xf32, #tpu.memory_space<vmem>>, vector<10000x128xf32>
    %max3A = arith.constant 1.000000e+00 : f32
    %max3A_12 = vector.broadcast %max3A : f32 to vector<10000xf32>
    %max3A_13 = arith.maximumf %add3A, %max3A_12 : vector<10000xf32>
    %rsqrt3A = math.rsqrt %max3A_13 : vector<10000xf32>
    %broadcast_in_dim3A = vector.shape_cast %rsqrt3A : vector<10000xf32> to vector<10000x1xf32>
    %mul3A = vector.broadcast %broadcast_in_dim3A : vector<10000x1xf32> to vector<10000x128xf32>
    %mul3A_14 = arith.mulf %get3A_11, %mul3A : vector<10000x128xf32>
    %swap3A = arith.constant 0 : index
    %swap3A_15 = arith.constant 0 : index
    %swap3A_16 = vector.load %arg2[%swap3A, %swap3A_15] : memref<10008x128xf32, #tpu.memory_space<vmem>>, vector<10000x128xf32>
    tpu.vector_store %arg2[%swap3A, %swap3A_15], %mul3A_14 {strides = array<i32>} : memref<10008x128xf32, #tpu.memory_space<vmem>>, vector<10000x128xf32>,
    %get3A_17 = arith.constant 0 : index
    %get3A_18 = arith.constant 1 : index
    %get3A_19 = arith.constant 0 : index
    %get3A_20 = vector.load %arg1[%get3A_17, %get3A_18, %get3A_19] : memref<2x2x10000xf32, #tpu.memory_space<vmem>>, vector<1x1x10000xf32>
    %get3A_21 = vector.shape_cast %get3A_20 : vector<1x1x10000xf32> to vector<10000xf32>
    %get3A_22 = arith.constant 1 : index
    %get3A_23 = arith.constant 1 : index
    %get3A_24 = arith.constant 0 : index
    %get3A_25 = vector.load %arg1[%get3A_22, %get3A_23, %get3A_24] : memref<2x2x10000xf32, #tpu.memory_space<vmem>>, vector<1x1x10000xf32>
    %get3A_26 = vector.shape_cast %get3A_25 : vector<1x1x10000xf32> to vector<10000xf32>
    %add3A_27 = arith.addf %get3A_21, %get3A_26 : vector<10000xf32>
    %max3A_28 = arith.constant 1.000000e+00 : f32
    %max3A_29 = vector.broadcast %max3A_28 : f32 to vector<10000xf32>
    %max3A_30 = arith.maximumf %add3A_27, %max3A_29 : vector<10000xf32>
    %rsqrt3A_31 = math.rsqrt %max3A_30 : vector<10000xf32>
    %broadcast_in_dim3A_32 = vector.shape_cast %rsqrt3A_31 : vector<10000xf32> to vector<10000x1xf32>
    %swap3A_33 = arith.constant 0 : index
    %swap3A_34 = arith.constant 0 : index
    %swap3A_35 = vector.load %arg3[%swap3A_33, %swap3A_34] : memref<10000x1xf32, #tpu.memory_space<vmem>>, vector<10000x1xf32>
    tpu.vector_store %arg3[%swap3A_33, %swap3A_34], %broadcast_in_dim3A_32 {strides = array<i32>} : memref<10000x1xf32, #tpu.memory_space<vmem>>, vector<10000x1xf32>,
    return
  }
}

module attributes {stable_mosaic.version = 14 : i64} {
  func.func @_epilogue_body(%arg0: i32, %arg1: memref<2x1000x128xf32, #tpu.memory_space<vmem>>, %arg2: memref<1000x128xf32, #tpu.memory_space<vmem>>, %arg3: memref<1000x128xf32, #tpu.memory_space<vmem>>, %arg4: memref<1000x1xf32, #tpu.memory_space<vmem>>, %arg5: memref<128x128xf32, #tpu.memory_space<vmem>>, %arg6: memref<128x128xf32, #tpu.memory_space<vmem>>, %arg7: memref<1000x128xf32, #tpu.memory_space<vmem>>) attributes {dimension_semantics = [#tpu.dimension_semantics<arbitrary>], iteration_bounds = array<i64: 10>, scalar_prefetch = 0 : i64, scratch_operands = 0 : i64, tpu.core_type = #tpu.core_type<tc>, window_params = [{transform_indices = @transform_0, window_bounds = array<i64: 2, 1000, 128>}, {transform_indices = @transform_1, window_bounds = array<i64: 1000, 128>}, {transform_indices = @transform_2, window_bounds = array<i64: 1000, 128>}, {transform_indices = @transform_3, window_bounds = array<i64: 1000, 1>}, {pipeline_mode = #tpu.pipeline_mode<synchronous>, transform_indices = @transform_4, window_bounds = array<i64: 128, 128>}, {pipeline_mode = #tpu.pipeline_mode<synchronous>, transform_indices = @transform_5, window_bounds = array<i64: 128, 128>}, {transform_indices = @transform_6, window_bounds = array<i64: 1000, 128>}]} {
    %get3A = arith.constant 0 : index
    %get3A_0 = arith.constant 0 : index
    %get3A_1 = arith.constant 0 : index
    %get3A_2 = vector.load %arg1[%get3A, %get3A_0, %get3A_1] : memref<2x1000x128xf32, #tpu.memory_space<vmem>>, vector<1x1000x128xf32>
    %get3A_3 = vector.shape_cast %get3A_2 : vector<1x1000x128xf32> to vector<1000x128xf32>
    %get3A_4 = arith.constant 1 : index
    %get3A_5 = arith.constant 0 : index
    %get3A_6 = arith.constant 0 : index
    %get3A_7 = vector.load %arg1[%get3A_4, %get3A_5, %get3A_6] : memref<2x1000x128xf32, #tpu.memory_space<vmem>>, vector<1x1000x128xf32>
    %get3A_8 = vector.shape_cast %get3A_7 : vector<1x1000x128xf32> to vector<1000x128xf32>
    %add3A = arith.addf %get3A_3, %get3A_8 : vector<1000x128xf32>
    %get3A_9 = arith.constant 0 : index
    %get3A_10 = arith.constant 0 : index
    %get3A_11 = vector.load %arg5[%get3A_9, %get3A_10] : memref<128x128xf32, #tpu.memory_space<vmem>>, vector<128x128xf32>
    %dot_general3A = arith.constant dense<0.000000e+00> : vector<1000x128xf32>
    %dot_general3A_12 = tpu.matmul %add3A, %get3A_11, %dot_general3A {dimension_numbers = #tpu.dot_dimension_numbers<[1], [0], [0], [1], [0, 0, 1, 1], [], []>, transpose_lhs_hint = false} : vector<1000x128xf32>, vector<128x128xf32>, vector<1000x128xf32> -> vector<1000x128xf32>
    %get3A_13 = arith.constant 0 : index
    %get3A_14 = arith.constant 0 : index
    %get3A_15 = vector.load %arg2[%get3A_13, %get3A_14] : memref<1000x128xf32, #tpu.memory_space<vmem>>, vector<1000x128xf32>
    %mul3A = arith.mulf %get3A_15, %add3A : vector<1000x128xf32>
    %get3A_16 = arith.constant 0 : index
    %get3A_17 = arith.constant 0 : index
    %get3A_18 = vector.load %arg6[%get3A_16, %get3A_17] : memref<128x128xf32, #tpu.memory_space<vmem>>, vector<128x128xf32>
    %dot_general3A_19 = arith.constant dense<0.000000e+00> : vector<1000x128xf32>
    %dot_general3A_20 = tpu.matmul %mul3A, %get3A_18, %dot_general3A_19 {dimension_numbers = #tpu.dot_dimension_numbers<[1], [0], [0], [1], [0, 0, 1, 1], [], []>, transpose_lhs_hint = false} : vector<1000x128xf32>, vector<128x128xf32>, vector<1000x128xf32> -> vector<1000x128xf32>
    %add3A_21 = arith.addf %dot_general3A_12, %dot_general3A_20 : vector<1000x128xf32>
    %get3A_22 = arith.constant 0 : index
    %get3A_23 = arith.constant 0 : index
    %get3A_24 = vector.load %arg4[%get3A_22, %get3A_23] : memref<1000x1xf32, #tpu.memory_space<vmem>>, vector<1000x1xf32>
    %mul3A_25 = vector.broadcast %get3A_24 : vector<1000x1xf32> to vector<1000x128xf32>
    %mul3A_26 = arith.mulf %add3A_21, %mul3A_25 : vector<1000x128xf32>
    %get3A_27 = arith.constant 0 : index
    %get3A_28 = arith.constant 0 : index
    %get3A_29 = vector.load %arg3[%get3A_27, %get3A_28] : memref<1000x128xf32, #tpu.memory_space<vmem>>, vector<1000x128xf32>
    %add3A_30 = arith.addf %mul3A_26, %get3A_29 : vector<1000x128xf32>
    %mul3A_31 = arith.constant 5.000000e-01 : f32
    %mul3A_32 = vector.broadcast %mul3A_31 : f32 to vector<1000x128xf32>
    %mul3A_33 = arith.mulf %add3A_30, %mul3A_32 : vector<1000x128xf32>
    %swap3A = arith.constant 0 : index
    %swap3A_34 = arith.constant 0 : index
    %swap3A_35 = vector.load %arg7[%swap3A, %swap3A_34] : memref<1000x128xf32, #tpu.memory_space<vmem>>, vector<1000x128xf32>
    tpu.vector_store %arg7[%swap3A, %swap3A_34], %mul3A_33 {strides = array<i32>} : memref<1000x128xf32, #tpu.memory_space<vmem>>, vector<1000x128xf32>,
    return
  }
  func.func @transform_0(%arg0: i32) -> (i32, i32, i32) {
    %c0_i32 = arith.constant 0 : i32
    %c0_i32_0 = arith.constant 0 : i32
    %c0_i32_1 = arith.constant 0 : i32
    return %c0_i32, %arg0, %c0_i32_0 : i32, i32, i32
  }
  func.func @transform_1(%arg0: i32) -> (i32, i32) {
    %c0_i32 = arith.constant 0 : i32
    %c0_i32_0 = arith.constant 0 : i32
    return %arg0, %c0_i32 : i32, i32
  }
  func.func @transform_2(%arg0: i32) -> (i32, i32) {
    %c0_i32 = arith.constant 0 : i32
    %c0_i32_0 = arith.constant 0 : i32
    return %arg0, %c0_i32 : i32, i32
  }
  func.func @transform_3(%arg0: i32) -> (i32, i32) {
    %c0_i32 = arith.constant 0 : i32
    %c0_i32_0 = arith.constant 0 : i32
    return %arg0, %c0_i32 : i32, i32
  }
  func.func @transform_4(%arg0: i32) -> (i32, i32) {
    %c0_i32 = arith.constant 0 : i32
    %c0_i32_0 = arith.constant 0 : i32
    %c0_i32_1 = arith.constant 0 : i32
    return %c0_i32, %c0_i32_0 : i32, i32
  }
  func.func @transform_5(%arg0: i32) -> (i32, i32) {
    %c0_i32 = arith.constant 0 : i32
    %c0_i32_0 = arith.constant 0 : i32
    %c0_i32_1 = arith.constant 0 : i32
    return %c0_i32, %c0_i32_0 : i32, i32
  }
  func.func @transform_6(%arg0: i32) -> (i32, i32) {
    %c0_i32 = arith.constant 0 : i32
    %c0_i32_0 = arith.constant 0 : i32
    return %arg0, %c0_i32 : i32, i32
  }
}

</mosaic_0001>

<sc_bundles>
// kernel: kernel.6.cloned.1.call-start
scs
__scs_entry_jumppad:
0x0: {  	(pc) =	sbr.rel $0x88, $3  }
0x1: {  	(tag) =	ssettag $0x0;
	lr =	simm.s32 $0x1  }
0x2: {  	[smem:$0x3F9D] =	sst lr;
	_ =	strace $0xD0000000  }
0x3: {  	_ = 	snop  }
0x4: {  	_ = 	snop  }
0x5: {  	_ = 	snop  }
0x6: {  	_ = 	snop  }
0x7: {  	_ = 	snop  }
__scs_overlays_trampoline_lowered:
0x8: {  	[smem:$0x3FAC] =	sst s0  }
0x9: {  	[smem:$0x3FAD] =	sst s1  }
0xa: {  	[smem:$0x3FAE] =	sst s2  }
0xb: {  	[smem:$0x3FAF] =	sst s3  }
0xc: {  	[smem:$0x3FB0] =	sst s4  }
0xd: {  	[smem:$0x3FB1] =	sst s5  }
0xe: {  	[smem:$0x3FB2] =	sst s6  }
0xf: {  	[smem:$0x3FB3] =	sst s7  }
0x10: {  	[smem:$0x3FB4] =	sst s8  }
0x11: {  	[smem:$0x3FB5] =	sst s9;
	s0 =	simm.s32 @!p0 $0x0  }
0x12: {  	s1 =	sld [smem:$0x3F9B];
	s0 =	simm.s32 @p0 $0x1  }
0x13: {  	[smem:$0x3FB6] =	sst s0;
	s0 =	simm.s32 @!p1 $0x0  }
0x14: {  	s2 =	sld [smem:$0x3F9A];
	s0 =	simm.s32 @p1 $0x1  }
0x15: {  	[smem:$0x3FB7] =	sst s0;
	s0 =	simm.s32 @!p2 $0x0  }
0x16: {  	s3 =	sld [smem:$0x3FDB];
	s0 =	simm.s32 @p2 $0x1  }
0x17: {  	s4 =	simm.s32 $0x1BF5;
	[smem:$0x3FB9] =	sst s0  }
0x18: {  	s0 =	sld [smem:$0x3F9C];
	_ =	swait.ge [sflag:s4], $0x0  }
0x19: {  	s7 =	sld [smem:$0x3F9D]  }
0x1a: {  	s8 =	sadd.s32 $0xFFFFE003, lr  }
0x1b: {  	s9 =	sadd.s32 $0xFFFFFEF7, lr;
	s5 =	simm.s32 $0xFFFFFFFF;
	p2 =	slt.u32 s8, $0xFFFFF086  }
0x1c: {  	p1 =	slt.u32 s9, $0xF7A;
	s5 =	simm.s32 @!p2 $0x0  }
0x1d: {  	s5 =	simm.s32 @p1 $0x1;
	p0 =	seq.s32 s7, s2  }
0x1e: {  	s7 =	smul.u32 @!p0 $0xF7A, s2;
	p2 =	seq.s32 @!p0 s5, $0x0  }
0x1f: {  	s9 =	smul.u32 $0xF7A, s1;
	s8 =	simm.s32 @!p0 $0x1BF5;
	p2 =	por !p2, p0  }
0x20: {  	[sflag:s8] =	ssyncset.s32 @!p0 $0xFFFFF086;
	s6 =	sadd.s32 @!p0 s3, s7;
	s7 =	simm.s32 @!p0 $0x108  }
0x21: {  	s3 =	sadd.s32 s3, s9;
	s6 =	sadd.s32 @!p0 $0x88, s6;
	s7 =	simm.s32 @p2 $0x1082  }
0x22: {  	[simem:s7], [sflag:s8] =	dma.local @!p0 [hbm:s6], $0xF7A  }
0x23: {  	s9 =	sor.u32 $0xD0000000, s2;
	s6 =	simm.s32 $0x108;
	_ =	swait.ge @!p0 [sflag:s8], $0x0  }
0x24: {  	s3 =	sadd.s32 $0x88, s3;
	s6 =	simm.s32 @!p1 $0x1082;
	[sflag:s4] =	ssyncset.s32 $0xFFFFF086  }
0x25: {  	[simem:s6], [sflag:s4] =	dma.local [hbm:s3], $0xF7A  }
0x26: {  	[smem:$0x3F9D] =	sst s1;
	(tag) =	ssettag s2;
	_ =	strace s9  }
0x27: {  	s1 =	sld [smem:$0x3FAD]  }
0x28: {  	s2 =	sld [smem:$0x3FAE]  }
0x29: {  	s4 =	sld [smem:$0x3FB0]  }
0x2a: {  	p0 =	seq.s32 s5, $0x0;
	s5 =	sld [smem:$0x3FB1]  }
0x2b: {  	s6 =	sld [smem:$0x3FB2]  }
0x2c: {  	s7 =	sld [smem:$0x3FB3]  }
0x2d: {  	s3 =	simm.s32 $0x108;
	s8 =	sld [smem:$0x3FB4]  }
0x2e: {  	s3 =	simm.s32 @!p0 $0x1082;
	s9 =	sld [smem:$0x3FB5]  }
0x2f: {  	lr =	sadd.s32 s0, s3;
	s0 =	sld [smem:$0x3FAC]  }
0x30: {  	s3 =	sld [smem:$0x3FAF]  }
0x31: {  	[smem:$0x3FB8] =	sst s10  }
0x32: {  	s10 =	sld [smem:$0x3FB6];
	_ =	sdelay $0x3  }
0x33: {  	p0 =	seq.s32 s10, $0x1;
	s10 =	sld [smem:$0x3FB8];
	_ =	sdelay $0x3  }
0x34: {  	[smem:$0x3FB8] =	sst s10  }
0x35: {  	s10 =	sld [smem:$0x3FB7];
	_ =	sdelay $0x3  }
0x36: {  	p1 =	seq.s32 s10, $0x1;
	s10 =	sld [smem:$0x3FB8];
	_ =	sdelay $0x3  }
0x37: {  	[smem:$0x3FB8] =	sst s10  }
0x38: {  	s10 =	sld [smem:$0x3FB9]  }
0x39: {  	_ = 	snop;
	(pc) =	sbr.ind lr, $3  }
0x3a: {  	_ = 	snop  }
0x3b: {  	_ = 	snop  }
0x3c: {  	p2 =	seq.s32 s10, $0x1;
	s10 =	sld [smem:$0x3FB8]  }
0x3d: {  	_ =	shalt  }
0x3e: {  	_ =	shalt  }
0x3f: {  	_ =	shalt  }
0x40: {  	_ =	shalt  }
0x41: {  	_ =	shalt  }
0x42: {  	_ =	shalt  }
0x43: {  	_ =	shalt  }
0x44: {  	_ =	shalt  }
0x45: {  	_ =	shalt  }
0x46: {  	_ =	shalt  }
0x47: {  	_ =	shalt  }
0x48: {  	_ =	shalt  }
0x49: {  	_ =	shalt  }
0x4a: {  	_ =	shalt  }
0x4b: {  	_ =	shalt  }
0x4c: {  	_ =	shalt  }
0x4d: {  	_ =	shalt  }
0x4e: {  	_ =	shalt  }
0x4f: {  	_ =	shalt  }
0x50: {  	_ =	shalt  }
0x51: {  	_ =	shalt  }
0x52: {  	_ =	shalt  }
0x53: {  	_ =	shalt  }
0x54: {  	_ =	shalt  }
0x55: {  	_ =	shalt  }
0x56: {  	_ =	shalt  }
0x57: {  	_ =	shalt  }
0x58: {  	_ =	shalt  }
0x59: {  	_ =	shalt  }
0x5a: {  	_ =	shalt  }
0x5b: {  	_ =	shalt  }
0x5c: {  	_ =	shalt  }
0x5d: {  	_ =	shalt  }
0x5e: {  	_ =	shalt  }
0x5f: {  	_ =	shalt  }
0x60: {  	_ =	shalt  }
0x61: {  	_ =	shalt  }
0x62: {  	_ =	shalt  }
0x63: {  	_ =	shalt  }
0x64: {  	_ =	shalt  }
0x65: {  	_ =	shalt  }
0x66: {  	_ =	shalt  }
0x67: {  	_ =	shalt  }
0x68: {  	_ =	shalt  }
0x69: {  	_ =	shalt  }
0x6a: {  	_ =	shalt  }
0x6b: {  	_ =	shalt  }
0x6c: {  	_ =	shalt  }
0x6d: {  	_ =	shalt  }
0x6e: {  	_ =	shalt  }
0x6f: {  	_ =	shalt  }
0x70: {  	_ =	shalt  }
0x71: {  	_ =	shalt  }
0x72: {  	_ =	shalt  }
0x73: {  	_ =	shalt  }
0x74: {  	_ =	shalt  }
0x75: {  	_ =	shalt  }
0x76: {  	_ =	shalt  }
0x77: {  	_ =	shalt  }
0x78: {  	_ =	shalt  }
0x79: {  	_ =	shalt  }
0x7a: {  	_ =	shalt  }
0x7b: {  	_ =	shalt  }
0x7c: {  	_ =	shalt  }
0x7d: {  	_ =	shalt  }
0x7e: {  	_ =	shalt  }
0x7f: {  	_ =	shalt  }
0x80: {  	_ =	shalt  }
0x81: {  	_ =	shalt  }
0x82: {  	_ =	shalt  }
0x83: {  	_ =	shalt  }
0x84: {  	_ =	shalt  }
0x85: {  	_ =	shalt  }
0x86: {  	_ =	shalt  }
0x87: {  	_ =	shalt  }
.Lfunc_end0:
.L_simem_size_0:
called_computation_lowered:
.L_overlay_start_0:
0x88: {  	s2 =	sld [smem:$0x3FD9]  }
0x89: {  	s3 =	sld [smem:$0x3FFE];
	_ =	sdelay $0x1  }
0x8a: {  	s1 =	srdreg.scid  }
0x8b: {  	s0 =	sand.u32 $0x1, s1  }
0x8c: {  	s17 =	sshll.u32 s0, $0xA;
	s2 =	sadd.s32 s3, s2  }
0x8d: {  	s2 =	sadd.s32 s2, s17  }
0x8e: {  	[smem:$0x3FC4] =	sst s2  }
0x8f: {  	_ = 	snop  }
0x90: {  	s2 =	sld [smem:$0x3FD0];
	(tm) =	ssettm $0x1  }
0x91: {  	s18 =	sld [smem:$0x3FFB];
	_ =	sdelay $0x3  }
0x92: {  	_ =	strace s18  }
0x93: {  	s3 =	sld [smem:$0x3FFC];
	_ =	sdelay $0x3  }
0x94: {  	_ =	strace s3  }
0x95: {  	s3 =	sld [smem:$0x3FFD];
	_ =	sdelay $0x3  }
0x96: {  	_ =	strace s3  }
0x97: {  	_ =	strace $0x8FFFFFFF  }
0x98: {  	s19 =	sld [smem:$0x3FDB];
	_ =	sdelay $0x1  }
0x99: {  	s4 =	simm.s32 $_scs_section_size  }
0x9a: {  	s5 =	simm.s32 $_size__tile_overlayer_lowered;
	s6 =	simm.s32 $_tile_overlayer_lowered  }
0x9b: {  	s22 =	simm.s32 $0x1BFF;
	s21 =	sshll.u32 s6, $0x1;
	s3 =	sadd.s32 s4, s19  }
0x9c: {  	s7 =	simm.s32 $0x0;
	s20 =	sshll.u32 s5, $0x1;
	s5 =	sadd.s32 s21, s3  }
0x9d: {  	[timem:s7], [sflag:s22] =	dma.local [hbm:s5], s20  }
0x9e: {  	_ =	swait.ge [sflag:s22], s20  }
0x9f: {  	s4 =	ssub.s32 $0x0, s20;
	[sflag:s22] =	ssyncset.done $0x0  }
0xa0: {  	[sflag:s22] =	ssyncadd.s32 s4;
	_ =	sdelay $0x1  }
0xa1: {  	s23 =	simm.s32 $0x1B8B  }
0xa2: {  	_ =	swait.ge [sflag:s23], $0x1  }
0xa3: {  	[sflag:s23] =	ssyncset.done $0x0  }
0xa4: {  	s25 =	simm.s32 $0x1B8E;
	s24 =	sld [smem:$0x3FFE];
	[sflag:s23] =	ssyncadd.s32 $0xFFFFFFFF  }
0xa5: {  	s26 =	simm.s32 $execute0_lowered;
	[smem:$0x3FD2] =	sst s25  }
0xa6: {  	s5 =	sshll.u32 s26, $0x1;
	_ =	strace $0x80000046;
	[dreg:$0x1] =	wrdreg $0xFFFFFFFF  }
0xa7: {  	s28 =	simm.s32 $_size_execute0_lowered;
	s3 =	sadd.s32 s3, s5;
	[dreg:$0x0] =	wrdreg $0x0  }
0xa8: {  	s5 =	sshll.u32 s28, $0x1;
	[dreg:$0x2] =	wrdreg s3  }
0xa9: {  	[dreg:$0x3] =	wrdreg s5  }
0xaa: {  	[dreg:$0x4] =	wrdreg $0xC0  }
0xab: {  	_ =	task [dreg:s7], $0x5FFFF  }
0xac: {  	[dreg:$0x1] =	wrdreg $0xFFFFFFFF  }
0xad: {  	[dreg:$0x0] =	wrdreg $0x60  }
0xae: {  	[dreg:$0x2] =	wrdreg s2  }
0xaf: {  	[dreg:$0x3] =	wrdreg s24  }
0xb0: {  	[dreg:$0x4] =	wrdreg $0x53000  }
0xb1: {  	[dreg:$0x5] =	wrdreg $0x55800  }
0xb2: {  	[dreg:$0x6] =	wrdreg $0x9  }
0xb3: {  	_ =	task.clear_ibuf [dreg:s7], $0x7FFFF;
	_ =	strace $0x90000046  }
0xb4: {  	s29 =	simm.s32 $0x9;
	_ =	strace $0x80000048  }
0xb5: {  	_ =	swait.ge [sflag:s29], $0x1  }
0xb6: {  	[sflag:s29] =	ssyncadd.s32 $0xFFFFFFFF  }
0xb7: {  	_ =	strace $0x90000048  }
0xb8: {  	_ =	sfence  }
0xb9: {  	s30 =	sld [smem:$0x0];
	_ =	sdelay $0x2  }
0xba: {  	s31 =	sshll.u32 s1, $0xD;
	s1 =	sshrl.u32 s1, $0x2  }
0xbb: {  	s3 =	sand.u32 $0x4000, s31;
	s1 =	sadd.s32 s1, s30  }
0xbc: {  	s0 =	sor.u32 s3, s0;
	s1 =	sshll.u32 s1, $0x11  }
0xbd: {  	s0 =	sor.u32 s1, s0  }
0xbe: {  	s0 =	sadd.s32 $0x8F2B, s0  }
0xbf: {  	[sflag:s0] =	ssyncadd.remote.s32 $0x1  }
0xc0: {  	_ =	sfence.sel $0xFFFF  }
0xc1: {  	[dreg:$0x0] =	wrdreg $0xFFFFFFFF;
	(pc) =	sbr.abs _section_cstart, $3  }
0xc2: {  	[dreg:$0x1] =	wrdreg $0xFFFFFFFF  }
0xc3: {  	_ =	task.clear_ibuf [dreg:s7], $0x2FFFF;
	_ =	strace $0x9FFFFFFF  }
0xc4: {  	(tm) =	ssettm $0x7FFFFFFF  }
0xc5: {  	_ =	shalt  }
tec
execute0_lowered:
.L_overlay_start_1:
0x0: {  	(tag) =	ssettag $0x1  }
0x1: {  	s7 =	rddreg [dreg:$0x0]  }
0x2: {  	s5 =	rddreg [dreg:$0x1]  }
0x3: {  	s1 =	rddreg [dreg:$0x2]  }
0x4: {  	s2 =	rddreg [dreg:$0x3]  }
0x5: {  	s3 =	srdreg.scid;
	s0 =	rddreg [dreg:$0x4];
	s4 =	simm.s32 $0x0  }
0x6: {  	s14 =	simm.s32 $0x2800;
	s15 =	simm.s32 $0x80;
	s16 =	simm.s32 $0x5000  }
0x7: {  	s19 =	simm.s32 $0x20;
	s20 =	simm.s32 $0x10;
	s6 =	sand.u32 $0x1, s3  }
0x8: {  	s22 =	simm.s32 $0x0;
	s3 =	stileid.u32;
	s9 =	smul.u32 $0x5000, s6  }
0x9: {  	[smem:$0x7FF] =	sst s4;
	s8 =	sshll.u32 s6, $0x4;
	s10 =	smul.u32 $0x500, s3  }
0xa: {  	_ =	strace $0x80000047;
	s6 =	ssub.s32 $0x2, s6;
	s31 =	smul.u32 $0x280, s3  }
0xb: {  	s17 =	sshll.u32 s3, $0x6;
	s8 =	sor.u32 s3, s8;
	s12 =	sshrl.u32 s6, $0x1  }
0xc: {  	s17 =	sor.u32 $0x1C01, s17;
	s8 =	smul.u32 $0x500, s8;
	s9 =	sadd.s32 s10, s9  }
0xd: {  	s12 =	ssub.s32 s6, s12;
	s6 =	sadd.s32 s31, s2;
	s9 =	sshrl.u32 s9, $0x3  }
0xe: {  	s21 =	sshrl.u32 s6, $0x3;
	s11 =	sadd.s32 s8, s5;
	s13 =	sadd.s32 s9, s5  }
0xf: {  	s5 =	sadd.s32 s31, s1;
	s7 =	sadd.s32 s7, s8;
	s8 =	sadd.s32 $0x1800, s11  }
0x10: {  	s9 =	sadd.s32 $0xB800, s13;
	s10 =	sadd.s32 $0xB810, s13;
	s11 =	smax.u32 s12, $0x1  }
0x11: {  	v0 =	vimm.f32 $0.0e+00;
	v1 =	vimm.f32 $1.000000000e+00;
	s12 =	simm.s32 $0x5080;
	s13 =	simm.s32 $0x1;
	s18 =	sshrl.u32 s5, $0x3  }
.LBB2_1:
0x12: {  	[tilespmem:$0x5080] =	vst v0  }
0x13: {  	[tilespmem:$0x5090] =	vst v0  }
0x14: {  	[tilespmem:$0x50A0] =	vst v0  }
0x15: {  	[tilespmem:$0x50B0] =	vst v0  }
0x16: {  	[tilespmem:$0x50C0] =	vst v0  }
0x17: {  	[tilespmem:$0x50D0] =	vst v0  }
0x18: {  	[tilespmem:$0x50E0] =	vst v0  }
0x19: {  	[tilespmem:$0x50F0] =	vst v0  }
0x1a: {  	[tilespmem:$0x5100] =	vst v0  }
0x1b: {  	[tilespmem:$0x5110] =	vst v0  }
0x1c: {  	[tilespmem:$0x5120] =	vst v0  }
0x1d: {  	[tilespmem:$0x5130] =	vst v0  }
0x1e: {  	[tilespmem:$0x5140] =	vst v0  }
0x1f: {  	[tilespmem:$0x5150] =	vst v0  }
0x20: {  	[tilespmem:$0x5160] =	vst v0  }
0x21: {  	[tilespmem:$0x5170] =	vst v0  }
0x22: {  	[tilespmem:$0x5180] =	vst v0  }
0x23: {  	[tilespmem:$0x5190] =	vst v0  }
0x24: {  	[tilespmem:$0x51A0] =	vst v0  }
0x25: {  	[tilespmem:$0x51B0] =	vst v0  }
0x26: {  	[tilespmem:$0x51C0] =	vst v0  }
0x27: {  	[tilespmem:$0x51D0] =	vst v0  }
0x28: {  	[tilespmem:$0x51E0] =	vst v0  }
0x29: {  	[tilespmem:$0x51F0] =	vst v0  }
0x2a: {  	[tilespmem:$0x5200] =	vst v0  }
0x2b: {  	[tilespmem:$0x5210] =	vst v0  }
0x2c: {  	[tilespmem:$0x5220] =	vst v0  }
0x2d: {  	[tilespmem:$0x5230] =	vst v0  }
0x2e: {  	[tilespmem:$0x5240] =	vst v0  }
0x2f: {  	[tilespmem:$0x5250] =	vst v0  }
0x30: {  	[tilespmem:$0x5260] =	vst v0  }
0x31: {  	[tilespmem:$0x5270] =	vst v0  }
0x32: {  	[tilespmem:$0x5280] =	vst v0  }
0x33: {  	[tilespmem:$0x5290] =	vst v0  }
0x34: {  	[tilespmem:$0x52A0] =	vst v0  }
0x35: {  	[tilespmem:$0x52B0] =	vst v0  }
0x36: {  	[tilespmem:$0x52C0] =	vst v0  }
0x37: {  	[tilespmem:$0x52D0] =	vst v0  }
0x38: {  	[tilespmem:$0x52E0] =	vst v0  }
0x39: {  	[tilespmem:$0x52F0] =	vst v0  }
0x3a: {  	[tilespmem:$0x5000] =	vst v1  }
0x3b: {  	[tilespmem:$0x5010] =	vst v1  }
0x3c: {  	[tilespmem:$0x5020] =	vst v1  }
0x3d: {  	[tilespmem:$0x5030] =	vst v1  }
0x3e: {  	[tilespmem:$0x5040] =	vst v1  }
0x3f: {  	[tilespmem:$0x5050] =	vst v1  }
0x40: {  	[tilespmem:$0x5060] =	vst v1  }
0x41: {  	[tilespmem:$0x5070] =	vst v1  }
0x42: {  	[spmem:s5] =	stream.linear.scatter [tilespmem:s12], [sflag:$0x1], $0x280, $0x38;
	[tilespmem:$0x5800] =	vst v63  }
0x43: {  	_ =	swait.ge [sflag:s13], $0x280  }
0x44: {  	[sflag:s13] =	ssyncset.done $0x0  }
0x45: {  	[sflag:s13] =	ssyncadd.s32 $0xFFFFFD80  }
0x46: {  	[spmem:s6] =	stream.linear.scatter [tilespmem:s12], [sflag:$0x1], $0x280, $0x38;
	[tilespmem:$0x5800] =	vst v63  }
0x47: {  	_ =	swait.ge [sflag:s13], $0x280  }
0x48: {  	[sflag:s13] =	ssyncset.done $0x0  }
0x49: {  	[sflag:s13] =	ssyncadd.s32 $0xFFFFFD80  }
0x4a: {  	[bflag:$0x0] =	sbarrier.arrive $0xFFFF  }
0x4b: {  	[tilespmem:s4], [sflag:$0x1] =	stream.linear.gather [hbm4b:s7+s4], $0x2800, $0x38;
	[tilespmem:$0x5800] =	vst v63  }
0x4c: {  	_ =	swait.ge [sflag:s13], $0x2800  }
0x4d: {  	[sflag:s13] =	ssyncset.done $0x0  }
0x4e: {  	[sflag:s13] =	ssyncadd.s32 $0xFFFFD800  }
0x4f: {  	[tilespmem:s14], [sflag:$0x1] =	stream.linear.gather [hbm4b:s8+s4], $0x2800, $0x38;
	[tilespmem:$0x5800] =	vst v63  }
0x50: {  	_ =	swait.ge [sflag:s13], $0x2800  }
0x51: {  	[sflag:s13] =	ssyncset.done $0x0  }
0x52: {  	s23 =	simm.s32 $0x0;
	[sflag:s13] =	ssyncadd.s32 $0xFFFFD800  }
0x53: {  	[spmem:s1] =	stream.indirect.scatter.add.f32 [tilespmem:s16], [sflag:$0x1], $0x1, s23, s15, $0xb8;
	[tilespmem:$0x5800] =	vst v63  }
0x54: {  	_ =	swait.ge [sflag:s13], $0x80  }
0x55: {  	[sflag:s13] =	ssyncset.done $0x0  }
0x56: {  	s31 =	simm.s32 $0x2800;
	[sflag:s13] =	ssyncadd.s32 $0xFFFFFF80  }
0x57: {  	[spmem:s2] =	stream.indirect.scatter.add.f32 [tilespmem:s16], [sflag:$0x1], $0x1, s31, s15, $0xb8;
	[tilespmem:$0x5800] =	vst v63  }
0x58: {  	_ =	swait.ge [sflag:s13], $0x80  }
0x59: {  	s24 =	simm.s32 $0x400;
	s23 =	simm.s32 $0x200;
	[sflag:s13] =	ssyncset.done $0x0  }
.LBB2_2:
0x5a: {  	s25 =	sshra.s32 s23, $0x2  }
0x5b: {  	[sflag:s13] =	ssyncadd.s32 $0xFFFFFF80;
	s23 =	smov.u32 s24;
	s26 =	sadd.s32 $0x200, s24  }
0x5c: {  	[spmem:s1] =	stream.indirect.scatter.add.f32 [tilespmem:s16], [sflag:$0x1], $0x1, s25, s15, $0xb8;
	[tilespmem:$0x5800] =	vst v63  }
0x5d: {  	p0 =	sne.s32 s24, $0x9E00;
	_ =	swait.ge [sflag:s13], $0x80  }
.Ltmp0:
0x5e: {  	[sflag:s13] =	ssyncset.done $0x0;
	(pc) =	sbr.rel @p0 .LBB2_2-.Ltmp0, $4  }
0x5f: {  	s24 =	sadd.s32 $0x2800, s25;
	[sflag:s13] =	ssyncadd.s32 $0xFFFFFF80  }
0x60: {  	[spmem:s2] =	stream.indirect.scatter.add.f32 [tilespmem:s16], [sflag:$0x1], $0x1, s24, s15, $0xb8;
	[tilespmem:$0x5800] =	vst v63  }
0x61: {  	_ =	swait.ge [sflag:s13], $0x80  }
0x62: {  	s24 =	smov.u32 s26;
	[sflag:s13] =	ssyncset.done $0x0  }
0x63: {  	s23 =	sshra.s32 s23, $0x2;
	[sflag:s13] =	ssyncadd.s32 $0xFFFFFF80  }
0x64: {  	[spmem:s1] =	stream.indirect.scatter.add.f32 [tilespmem:s16], [sflag:$0x1], $0x1, s23, s15, $0xb8;
	[tilespmem:$0x5800] =	vst v63  }
0x65: {  	_ =	swait.ge [sflag:s13], $0x80  }
0x66: {  	[sflag:s13] =	ssyncset.done $0x0  }
0x67: {  	s23 =	sadd.s32 $0x2800, s23;
	[sflag:s13] =	ssyncadd.s32 $0xFFFFFF80  }
0x68: {  	[spmem:s2] =	stream.indirect.scatter.add.f32 [tilespmem:s16], [sflag:$0x1], $0x1, s23, s15, $0xb8;
	[tilespmem:$0x5800] =	vst v63  }
0x69: {  	_ =	swait.ge [sflag:s13], $0x80  }
0x6a: {  	[sflag:s13] =	ssyncset.done $0x0  }
0x6b: {  	[sflag:s13] =	ssyncadd.s32 $0xFFFFFF80  }
0x6c: {  	[bflag:$0x0] =	sbarrier.arrive $0xFFFF  }
0x6d: {  	[hbm:s9@s19], [sflag:s17] =	dma.strided [spmem:s18@s20], $0x50, s13, $0x10   }
0x6e: {  	s22 =	sadd.s32 $0x1, s22;
	_ =	swait.ge [sflag:s13], $0x50  }
0x6f: {  	p0 =	sne.s32 s22, s11;
	[sflag:s13] =	ssyncset.done $0x0  }
.Ltmp1:
0x70: {  	[sflag:s13] =	ssyncadd.s32 $0xFFFFFFB0;
	(pc) =	sbr.rel @p0 .LBB2_1-.Ltmp1, $4  }
0x71: {  	[hbm:s10@s19], [sflag:s17] =	dma.strided [spmem:s21@s20], $0x50, s13, $0x10   }
0x72: {  	_ =	swait.ge [sflag:s13], $0x50  }
0x73: {  	[sflag:s13] =	ssyncset.done $0x0  }
0x74: {  	[sflag:s13] =	ssyncadd.s32 $0xFFFFFFB0  }
0x75: {  	_ =	sfence.sel $0x180000  }
0x76: {  	[bflag:$0x0] =	sbarrier.arrive $0xFFFF  }
0x77: {  	p0 =	sne.s32 s3, $0x0;
	_ =	strace $0x90000047  }
0x78: {  	s0 =	sadd.s32 @!p0 $0x100000, s0;
	[bflag:$0x2] =	sbarrier.arrive $0xFFFF  }
0x79: {  	[sflag:s0] =	ssyncadd.tile.s32 @!p0 $0x1;
	_ =	shalt  }
.Lfunc_end2:
_tile_overlayer_lowered:
.L_overlay_start_2:
0x7a: {  	(tag) =	ssettag $0x2  }
0x7b: {  	s0 =	rddreg [dreg:$0x0];
	s2 =	stileid.u32  }
0x7c: {  	s1 =	rddreg [dreg:$0x1];
	p0 =	sne.s32 s2, $0x0  }
0x7d: {  	s3 =	rddreg [dreg:$0x2];
	[bflag:$0x3] =	sbarrier.arrive $0xFFFF;
	s2 =	simm.s32 @!p0 $0x1C01  }
0x7e: {  	[timem:s3], [sflag:s2] =	dma.local @!p0 [hbm:s0], s1  }
0x7f: {  	s0 =	simm.s32 @!p0 $0x1  }
0x80: {  	_ =	swait.ge @!p0 [sflag:s0], s1  }
0x81: {  	s1 =	ssub.s32 @!p0 $0x0, s1;
	[sflag:s0] =	ssyncset.done @!p0 $0x0  }
0x82: {  	[sflag:s0] =	ssyncadd.s32 @!p0 s1  }
0x83: {  	[bflag:$0x3] =	sbarrier.arrive $0xFFFF  }
0x84: {  	_ =	shalt  }

// kernel: kernel.9.cloned.1.call-start
scs
__scs_entry_jumppad:
0x0: {  	(pc) =	sbr.rel $0x88, $3  }
0x1: {  	(tag) =	ssettag $0x0;
	lr =	simm.s32 $0x1  }
0x2: {  	[smem:$0x3F9D] =	sst lr;
	_ =	strace $0xD0000000  }
0x3: {  	_ = 	snop  }
0x4: {  	_ = 	snop  }
0x5: {  	_ = 	snop  }
0x6: {  	_ = 	snop  }
0x7: {  	_ = 	snop  }
__scs_overlays_trampoline_lowered:
0x8: {  	[smem:$0x3FAC] =	sst s0  }
0x9: {  	[smem:$0x3FAD] =	sst s1  }
0xa: {  	[smem:$0x3FAE] =	sst s2  }
0xb: {  	[smem:$0x3FAF] =	sst s3  }
0xc: {  	[smem:$0x3FB0] =	sst s4  }
0xd: {  	[smem:$0x3FB1] =	sst s5  }
0xe: {  	[smem:$0x3FB2] =	sst s6  }
0xf: {  	[smem:$0x3FB3] =	sst s7  }
0x10: {  	[smem:$0x3FB4] =	sst s8  }
0x11: {  	[smem:$0x3FB5] =	sst s9;
	s0 =	simm.s32 @!p0 $0x0  }
0x12: {  	s1 =	sld [smem:$0x3F9B];
	s0 =	simm.s32 @p0 $0x1  }
0x13: {  	[smem:$0x3FB6] =	sst s0;
	s0 =	simm.s32 @!p1 $0x0  }
0x14: {  	s2 =	sld [smem:$0x3F9A];
	s0 =	simm.s32 @p1 $0x1  }
0x15: {  	[smem:$0x3FB7] =	sst s0;
	s0 =	simm.s32 @!p2 $0x0  }
0x16: {  	s3 =	sld [smem:$0x3FDB];
	s0 =	simm.s32 @p2 $0x1  }
0x17: {  	s4 =	simm.s32 $0x1BF5;
	[smem:$0x3FB9] =	sst s0  }
0x18: {  	s0 =	sld [smem:$0x3F9C];
	_ =	swait.ge [sflag:s4], $0x0  }
0x19: {  	s7 =	sld [smem:$0x3F9D]  }
0x1a: {  	s8 =	sadd.s32 $0xFFFFE003, lr  }
0x1b: {  	s9 =	sadd.s32 $0xFFFFFEF7, lr;
	s5 =	simm.s32 $0xFFFFFFFF;
	p2 =	slt.u32 s8, $0xFFFFF086  }
0x1c: {  	p1 =	slt.u32 s9, $0xF7A;
	s5 =	simm.s32 @!p2 $0x0  }
0x1d: {  	s5 =	simm.s32 @p1 $0x1;
	p0 =	seq.s32 s7, s2  }
0x1e: {  	s7 =	smul.u32 @!p0 $0xF7A, s2;
	p2 =	seq.s32 @!p0 s5, $0x0  }
0x1f: {  	s9 =	smul.u32 $0xF7A, s1;
	s8 =	simm.s32 @!p0 $0x1BF5;
	p2 =	por !p2, p0  }
0x20: {  	[sflag:s8] =	ssyncset.s32 @!p0 $0xFFFFF086;
	s6 =	sadd.s32 @!p0 s3, s7;
	s7 =	simm.s32 @!p0 $0x108  }
0x21: {  	s3 =	sadd.s32 s3, s9;
	s6 =	sadd.s32 @!p0 $0x88, s6;
	s7 =	simm.s32 @p2 $0x1082  }
0x22: {  	[simem:s7], [sflag:s8] =	dma.local @!p0 [hbm:s6], $0xF7A  }
0x23: {  	s9 =	sor.u32 $0xD0000000, s2;
	s6 =	simm.s32 $0x108;
	_ =	swait.ge @!p0 [sflag:s8], $0x0  }
0x24: {  	s3 =	sadd.s32 $0x88, s3;
	s6 =	simm.s32 @!p1 $0x1082;
	[sflag:s4] =	ssyncset.s32 $0xFFFFF086  }
0x25: {  	[simem:s6], [sflag:s4] =	dma.local [hbm:s3], $0xF7A  }
0x26: {  	[smem:$0x3F9D] =	sst s1;
	(tag) =	ssettag s2;
	_ =	strace s9  }
0x27: {  	s1 =	sld [smem:$0x3FAD]  }
0x28: {  	s2 =	sld [smem:$0x3FAE]  }
0x29: {  	s4 =	sld [smem:$0x3FB0]  }
0x2a: {  	p0 =	seq.s32 s5, $0x0;
	s5 =	sld [smem:$0x3FB1]  }
0x2b: {  	s6 =	sld [smem:$0x3FB2]  }
0x2c: {  	s7 =	sld [smem:$0x3FB3]  }
0x2d: {  	s3 =	simm.s32 $0x108;
	s8 =	sld [smem:$0x3FB4]  }
0x2e: {  	s3 =	simm.s32 @!p0 $0x1082;
	s9 =	sld [smem:$0x3FB5]  }
0x2f: {  	lr =	sadd.s32 s0, s3;
	s0 =	sld [smem:$0x3FAC]  }
0x30: {  	s3 =	sld [smem:$0x3FAF]  }
0x31: {  	[smem:$0x3FB8] =	sst s10  }
0x32: {  	s10 =	sld [smem:$0x3FB6];
	_ =	sdelay $0x3  }
0x33: {  	p0 =	seq.s32 s10, $0x1;
	s10 =	sld [smem:$0x3FB8];
	_ =	sdelay $0x3  }
0x34: {  	[smem:$0x3FB8] =	sst s10  }
0x35: {  	s10 =	sld [smem:$0x3FB7];
	_ =	sdelay $0x3  }
0x36: {  	p1 =	seq.s32 s10, $0x1;
	s10 =	sld [smem:$0x3FB8];
	_ =	sdelay $0x3  }
0x37: {  	[smem:$0x3FB8] =	sst s10  }
0x38: {  	s10 =	sld [smem:$0x3FB9]  }
0x39: {  	_ = 	snop;
	(pc) =	sbr.ind lr, $3  }
0x3a: {  	_ = 	snop  }
0x3b: {  	_ = 	snop  }
0x3c: {  	p2 =	seq.s32 s10, $0x1;
	s10 =	sld [smem:$0x3FB8]  }
0x3d: {  	_ =	shalt  }
0x3e: {  	_ =	shalt  }
0x3f: {  	_ =	shalt  }
0x40: {  	_ =	shalt  }
0x41: {  	_ =	shalt  }
0x42: {  	_ =	shalt  }
0x43: {  	_ =	shalt  }
0x44: {  	_ =	shalt  }
0x45: {  	_ =	shalt  }
0x46: {  	_ =	shalt  }
0x47: {  	_ =	shalt  }
0x48: {  	_ =	shalt  }
0x49: {  	_ =	shalt  }
0x4a: {  	_ =	shalt  }
0x4b: {  	_ =	shalt  }
0x4c: {  	_ =	shalt  }
0x4d: {  	_ =	shalt  }
0x4e: {  	_ =	shalt  }
0x4f: {  	_ =	shalt  }
0x50: {  	_ =	shalt  }
0x51: {  	_ =	shalt  }
0x52: {  	_ =	shalt  }
0x53: {  	_ =	shalt  }
0x54: {  	_ =	shalt  }
0x55: {  	_ =	shalt  }
0x56: {  	_ =	shalt  }
0x57: {  	_ =	shalt  }
0x58: {  	_ =	shalt  }
0x59: {  	_ =	shalt  }
0x5a: {  	_ =	shalt  }
0x5b: {  	_ =	shalt  }
0x5c: {  	_ =	shalt  }
0x5d: {  	_ =	shalt  }
0x5e: {  	_ =	shalt  }
0x5f: {  	_ =	shalt  }
0x60: {  	_ =	shalt  }
0x61: {  	_ =	shalt  }
0x62: {  	_ =	shalt  }
0x63: {  	_ =	shalt  }
0x64: {  	_ =	shalt  }
0x65: {  	_ =	shalt  }
0x66: {  	_ =	shalt  }
0x67: {  	_ =	shalt  }
0x68: {  	_ =	shalt  }
0x69: {  	_ =	shalt  }
0x6a: {  	_ =	shalt  }
0x6b: {  	_ =	shalt  }
0x6c: {  	_ =	shalt  }
0x6d: {  	_ =	shalt  }
0x6e: {  	_ =	shalt  }
0x6f: {  	_ =	shalt  }
0x70: {  	_ =	shalt  }
0x71: {  	_ =	shalt  }
0x72: {  	_ =	shalt  }
0x73: {  	_ =	shalt  }
0x74: {  	_ =	shalt  }
0x75: {  	_ =	shalt  }
0x76: {  	_ =	shalt  }
0x77: {  	_ =	shalt  }
0x78: {  	_ =	shalt  }
0x79: {  	_ =	shalt  }
0x7a: {  	_ =	shalt  }
0x7b: {  	_ =	shalt  }
0x7c: {  	_ =	shalt  }
0x7d: {  	_ =	shalt  }
0x7e: {  	_ =	shalt  }
0x7f: {  	_ =	shalt  }
0x80: {  	_ =	shalt  }
0x81: {  	_ =	shalt  }
0x82: {  	_ =	shalt  }
0x83: {  	_ =	shalt  }
0x84: {  	_ =	shalt  }
0x85: {  	_ =	shalt  }
0x86: {  	_ =	shalt  }
0x87: {  	_ =	shalt  }
.Lfunc_end0:
.L_simem_size_0:
called_computation.1_lowered:
.L_overlay_start_0:
0x88: {  	s2 =	sld [smem:$0x3FD9]  }
0x89: {  	s3 =	sld [smem:$0x3FFE];
	_ =	sdelay $0x1  }
0x8a: {  	s1 =	srdreg.scid  }
0x8b: {  	s0 =	sand.u32 $0x1, s1  }
0x8c: {  	s17 =	sshll.u32 s0, $0xA;
	s2 =	sadd.s32 s3, s2  }
0x8d: {  	s2 =	sadd.s32 s2, s17  }
0x8e: {  	[smem:$0x3FC4] =	sst s2  }
0x8f: {  	_ = 	snop  }
0x90: {  	s2 =	sld [smem:$0x3FD0];
	(tm) =	ssettm $0x1  }
0x91: {  	s18 =	sld [smem:$0x3FFB];
	_ =	sdelay $0x3  }
0x92: {  	_ =	strace s18  }
0x93: {  	s3 =	sld [smem:$0x3FFC];
	_ =	sdelay $0x3  }
0x94: {  	_ =	strace s3  }
0x95: {  	s3 =	sld [smem:$0x3FFD];
	_ =	sdelay $0x3  }
0x96: {  	_ =	strace s3  }
0x97: {  	_ =	strace $0x8FFFFFFF  }
0x98: {  	s19 =	sld [smem:$0x3FDB];
	_ =	sdelay $0x1  }
0x99: {  	s4 =	simm.s32 $_scs_section_size  }
0x9a: {  	s5 =	simm.s32 $_size__tile_overlayer_lowered;
	s6 =	simm.s32 $_tile_overlayer_lowered  }
0x9b: {  	s22 =	simm.s32 $0x1BFF;
	s21 =	sshll.u32 s6, $0x1;
	s3 =	sadd.s32 s4, s19  }
0x9c: {  	s7 =	simm.s32 $0x0;
	s20 =	sshll.u32 s5, $0x1;
	s5 =	sadd.s32 s21, s3  }
0x9d: {  	[timem:s7], [sflag:s22] =	dma.local [hbm:s5], s20  }
0x9e: {  	_ =	swait.ge [sflag:s22], s20  }
0x9f: {  	s4 =	ssub.s32 $0x0, s20;
	[sflag:s22] =	ssyncset.done $0x0  }
0xa0: {  	[sflag:s22] =	ssyncadd.s32 s4;
	_ =	sdelay $0x1  }
0xa1: {  	s23 =	simm.s32 $0x1B8B  }
0xa2: {  	_ =	swait.ge [sflag:s23], $0x1  }
0xa3: {  	[sflag:s23] =	ssyncset.done $0x0  }
0xa4: {  	s25 =	simm.s32 $0x1B8E;
	s24 =	sld [smem:$0x3FFE];
	[sflag:s23] =	ssyncadd.s32 $0xFFFFFFFF  }
0xa5: {  	s26 =	simm.s32 $execute0_lowered;
	[smem:$0x3FD2] =	sst s25  }
0xa6: {  	s5 =	sshll.u32 s26, $0x1;
	_ =	strace $0x80000049;
	[dreg:$0x1] =	wrdreg $0xFFFFFFFF  }
0xa7: {  	s28 =	simm.s32 $_size_execute0_lowered;
	s3 =	sadd.s32 s3, s5;
	[dreg:$0x0] =	wrdreg $0x0  }
0xa8: {  	s5 =	sshll.u32 s28, $0x1;
	[dreg:$0x2] =	wrdreg s3  }
0xa9: {  	[dreg:$0x3] =	wrdreg s5  }
0xaa: {  	[dreg:$0x4] =	wrdreg $0xC0  }
0xab: {  	_ =	task [dreg:s7], $0x5FFFF  }
0xac: {  	[dreg:$0x1] =	wrdreg $0xFFFFFFFF  }
0xad: {  	[dreg:$0x0] =	wrdreg $0x60  }
0xae: {  	[dreg:$0x2] =	wrdreg s2  }
0xaf: {  	[dreg:$0x3] =	wrdreg s24  }
0xb0: {  	[dreg:$0x4] =	wrdreg $0x90000  }
0xb1: {  	[dreg:$0x5] =	wrdreg $0x9  }
0xb2: {  	_ =	task.clear_ibuf [dreg:s7], $0x6FFFF;
	_ =	strace $0x90000049  }
0xb3: {  	s29 =	simm.s32 $0x9;
	_ =	strace $0x8000004B  }
0xb4: {  	_ =	swait.ge [sflag:s29], $0x1  }
0xb5: {  	[sflag:s29] =	ssyncadd.s32 $0xFFFFFFFF  }
0xb6: {  	_ =	strace $0x9000004B  }
0xb7: {  	_ =	sfence  }
0xb8: {  	s30 =	sld [smem:$0x0];
	_ =	sdelay $0x2  }
0xb9: {  	s31 =	sshll.u32 s1, $0xD;
	s1 =	sshrl.u32 s1, $0x2  }
0xba: {  	s3 =	sand.u32 $0x4000, s31;
	s1 =	sadd.s32 s1, s30  }
0xbb: {  	s0 =	sor.u32 s3, s0;
	s1 =	sshll.u32 s1, $0x11  }
0xbc: {  	s0 =	sor.u32 s1, s0  }
0xbd: {  	s0 =	sadd.s32 $0x8F2B, s0  }
0xbe: {  	[sflag:s0] =	ssyncadd.remote.s32 $0x1  }
0xbf: {  	_ =	sfence.sel $0xFFFF  }
0xc0: {  	[dreg:$0x0] =	wrdreg $0xFFFFFFFF;
	(pc) =	sbr.abs _section_cstart, $3  }
0xc1: {  	[dreg:$0x1] =	wrdreg $0xFFFFFFFF  }
0xc2: {  	_ =	task.clear_ibuf [dreg:s7], $0x2FFFF;
	_ =	strace $0x9FFFFFFF  }
0xc3: {  	(tm) =	ssettm $0x7FFFFFFF  }
tec
execute0_lowered:
.L_overlay_start_1:
0x0: {  	(tag) =	ssettag $0x1  }
0x1: {  	s10 =	rddreg [dreg:$0x0]  }
0x2: {  	s0 =	srdreg.scid;
	s6 =	rddreg [dreg:$0x1]  }
0x3: {  	s2 =	rddreg [dreg:$0x2];
	s3 =	simm.s32 $0x0;
	s15 =	simm.s32 $0x2  }
0x4: {  	s16 =	simm.s32 $0x2800;
	s17 =	simm.s32 $0x80;
	s5 =	sand.u32 $0x1, s0  }
0x5: {  	s18 =	simm.s32 $0x1;
	s0 =	stileid.u32;
	s7 =	smul.u32 $0x140000, s5  }
0x6: {  	[smem:$0x7FF] =	sst s3;
	s4 =	sadd.s32 $0xB800, s6;
	s8 =	smul.u32 $0x14000, s0  }
0x7: {  	s1 =	sshll.u32 s5, $0x4;
	s9 =	smul.u32 $0x50000, s0;
	s29 =	ssub.s32 $0x2, s5  }
0x8: {  	s19 =	sshll.u32 s0, $0x6;
	s1 =	sor.u32 s0, s1;
	s31 =	sshrl.u32 s29, $0x1  }
0x9: {  	s19 =	sor.u32 $0x1C02, s19;
	s11 =	smul.u32 $0x500, s1;
	s1 =	rddreg [dreg:$0x3]  }
0xa: {  	_ =	strace $0x8000004A;
	s7 =	sadd.s32 s8, s7;
	s30 =	sshrl.u32 s9, $0x2  }
0xb: {  	s14 =	ssub.s32 s29, s31;
	s7 =	sshrl.u32 s7, $0x3;
	s5 =	sadd.s32 s30, s2  }
0xc: {  	s12 =	sadd.s32 s11, s6;
	s13 =	sadd.s32 s7, s6;
	s6 =	sadd.s32 $0x4000, s5  }
0xd: {  	s7 =	sadd.s32 $0x8000, s5;
	s8 =	sadd.s32 $0xC000, s5;
	s9 =	sadd.s32 $0x10000, s5  }
0xe: {  	s10 =	sadd.s32 s10, s11;
	s20 =	sshrl.u32 s5, $0x3;
	s11 =	sadd.s32 $0x1800, s12  }
0xf: {  	v0 =	vimm.f32 $0.0e+00;
	s12 =	sadd.s32 $0x32A00, s13;
	s13 =	smax.u32 s14, $0x1;
	s14 =	simm.s32 $0x5000  }
.LBB2_1:
0x10: {  	s21 =	simm.s32 $0x0;
	s22 =	simm.s32 $0x200  }
.LBB2_2:
0x11: {  	p0 =	sne.s32 s22, $0xFE00;
	[tilespmem:s21+$0x5070] =	vst v0  }
0x12: {  	[tilespmem:s21+$0x5000] =	vst v0  }
0x13: {  	[tilespmem:s21+$0x5010] =	vst v0  }
.Ltmp0:
0x14: {  	[tilespmem:s21+$0x5020] =	vst v0;
	(pc) =	sbr.rel @p0 .LBB2_2-.Ltmp0, $4  }
0x15: {  	[tilespmem:s21+$0x5030] =	vst v0  }
0x16: {  	[tilespmem:s21+$0x5040] =	vst v0  }
0x17: {  	[tilespmem:s21+$0x5050] =	vst v0  }
0x18: {  	[tilespmem:s21+$0x5060] =	vst v0;
	s21 =	sshra.s32 s22, $0x2;
	s22 =	sadd.s32 $0x200, s22  }
0x19: {  	[tilespmem:s21+$0x5070] =	vst v0  }
0x1a: {  	[tilespmem:s21+$0x5000] =	vst v0  }
0x1b: {  	[tilespmem:s21+$0x5010] =	vst v0  }
0x1c: {  	[tilespmem:s21+$0x5020] =	vst v0  }
0x1d: {  	[tilespmem:s21+$0x5030] =	vst v0  }
0x1e: {  	[tilespmem:s21+$0x5040] =	vst v0  }
0x1f: {  	[tilespmem:s21+$0x5050] =	vst v0  }
0x20: {  	[tilespmem:s21+$0x5060] =	vst v0  }
0x21: {  	[spmem:s5] =	stream.linear.scatter [tilespmem:s14], [sflag:$0x2], $0x4000, $0x38;
	[tilespmem:$0x1D000] =	vst v63  }
0x22: {  	_ =	swait.ge [sflag:s15], $0x4000  }
0x23: {  	[sflag:s15] =	ssyncset.done $0x0  }
0x24: {  	[sflag:s15] =	ssyncadd.s32 $0xFFFFC000  }
0x25: {  	[spmem:s6] =	stream.linear.scatter [tilespmem:s14], [sflag:$0x2], $0x4000, $0x38;
	[tilespmem:$0x1D000] =	vst v63  }
0x26: {  	_ =	swait.ge [sflag:s15], $0x4000  }
0x27: {  	[sflag:s15] =	ssyncset.done $0x0  }
0x28: {  	[sflag:s15] =	ssyncadd.s32 $0xFFFFC000  }
0x29: {  	[spmem:s7] =	stream.linear.scatter [tilespmem:s14], [sflag:$0x2], $0x4000, $0x38;
	[tilespmem:$0x1D000] =	vst v63  }
0x2a: {  	_ =	swait.ge [sflag:s15], $0x4000  }
0x2b: {  	[sflag:s15] =	ssyncset.done $0x0  }
0x2c: {  	[sflag:s15] =	ssyncadd.s32 $0xFFFFC000  }
0x2d: {  	[spmem:s8] =	stream.linear.scatter [tilespmem:s14], [sflag:$0x2], $0x4000, $0x38;
	[tilespmem:$0x1D000] =	vst v63  }
0x2e: {  	_ =	swait.ge [sflag:s15], $0x4000  }
0x2f: {  	[sflag:s15] =	ssyncset.done $0x0  }
0x30: {  	[sflag:s15] =	ssyncadd.s32 $0xFFFFC000  }
0x31: {  	[spmem:s9] =	stream.linear.scatter [tilespmem:s14], [sflag:$0x2], $0x4000, $0x38;
	[tilespmem:$0x1D000] =	vst v63  }
0x32: {  	_ =	swait.ge [sflag:s15], $0x4000  }
0x33: {  	[sflag:s15] =	ssyncset.done $0x0  }
0x34: {  	[sflag:s15] =	ssyncadd.s32 $0xFFFFC000  }
0x35: {  	s29 =	simm.s32 $0x0;
	[bflag:$0x0] =	sbarrier.arrive $0xFFFF  }
0x36: {  	[tilespmem:s29], [sflag:$0x2] =	stream.linear.gather [hbm4b:s10+s29], $0x2800, $0x38;
	[tilespmem:$0x1D000] =	vst v63  }
0x37: {  	_ =	swait.ge [sflag:s15], $0x2800  }
0x38: {  	[sflag:s15] =	ssyncset.done $0x0  }
0x39: {  	[sflag:s15] =	ssyncadd.s32 $0xFFFFD800  }
0x3a: {  	[tilespmem:s16], [sflag:$0x2] =	stream.linear.gather [hbm4b:s11+s29], $0x2800, $0x38;
	[tilespmem:$0x1D000] =	vst v63  }
0x3b: {  	_ =	swait.ge [sflag:s15], $0x2800  }
0x3c: {  	[sflag:s15] =	ssyncset.done $0x0  }
0x3d: {  	s30 =	simm.s32 $0x0;
	[sflag:s15] =	ssyncadd.s32 $0xFFFFD800  }
0x3e: {  	[tilespmem:s14], [sflag:$0x1] =	stream.indirect.gather [hbm4b:s4+s17], $0x80, s30, s17, $0xb8;
	[tilespmem:$0x1D000] =	vst v63  }
0x3f: {  	_ =	swait.ge [sflag:s18], $0x4000  }
0x40: {  	[sflag:s18] =	ssyncset.done $0x0  }
0x41: {  	s31 =	simm.s32 $0x2800;
	[sflag:s18] =	ssyncadd.s32 $0xFFFFC000  }
0x42: {  	[spmem:s2] =	stream.indirect.scatter.add.f32 [tilespmem:s14], [sflag:$0x2], $0x80, s31, s17, $0xb8;
	[tilespmem:$0x1D000] =	vst v63  }
0x43: {  	_ =	swait.ge [sflag:s15], $0x4000  }
0x44: {  	s21 =	simm.s32 $0x200;
	s22 =	simm.s32 $0x400;
	[sflag:s15] =	ssyncset.done $0x0  }
.LBB2_4:
0x45: {  	s23 =	sshra.s32 s21, $0x2  }
0x46: {  	[sflag:s15] =	ssyncadd.s32 $0xFFFFC000;
	s21 =	smov.u32 s22;
	s24 =	sadd.s32 $0x200, s22  }
0x47: {  	[tilespmem:s14], [sflag:$0x1] =	stream.indirect.gather [hbm4b:s4+s17], $0x80, s23, s17, $0xb8;
	[tilespmem:$0x1D000] =	vst v63  }
0x48: {  	p0 =	sne.s32 s22, $0x9E00;
	_ =	swait.ge [sflag:s18], $0x4000  }
.Ltmp1:
0x49: {  	[sflag:s18] =	ssyncset.done $0x0;
	(pc) =	sbr.rel @p0 .LBB2_4-.Ltmp1, $4  }
0x4a: {  	s22 =	sadd.s32 $0x2800, s23;
	[sflag:s18] =	ssyncadd.s32 $0xFFFFC000  }
0x4b: {  	[spmem:s2] =	stream.indirect.scatter.add.f32 [tilespmem:s14], [sflag:$0x2], $0x80, s22, s17, $0xb8;
	[tilespmem:$0x1D000] =	vst v63  }
0x4c: {  	_ =	swait.ge [sflag:s15], $0x4000  }
0x4d: {  	s22 =	smov.u32 s24;
	[sflag:s15] =	ssyncset.done $0x0  }
0x4e: {  	s21 =	sshra.s32 s21, $0x2;
	[sflag:s15] =	ssyncadd.s32 $0xFFFFC000  }
0x4f: {  	[tilespmem:s14], [sflag:$0x1] =	stream.indirect.gather [hbm4b:s4+s17], $0x80, s21, s17, $0xb8;
	[tilespmem:$0x1D000] =	vst v63  }
0x50: {  	_ =	swait.ge [sflag:s18], $0x4000  }
0x51: {  	[sflag:s18] =	ssyncset.done $0x0  }
0x52: {  	s21 =	sadd.s32 $0x2800, s21;
	[sflag:s18] =	ssyncadd.s32 $0xFFFFC000  }
0x53: {  	[spmem:s2] =	stream.indirect.scatter.add.f32 [tilespmem:s14], [sflag:$0x2], $0x80, s21, s17, $0xb8;
	[tilespmem:$0x1D000] =	vst v63  }
0x54: {  	_ =	swait.ge [sflag:s15], $0x4000  }
0x55: {  	s3 =	sadd.s32 $0x1, s3;
	[sflag:s15] =	ssyncset.done $0x0  }
0x56: {  	p0 =	sne.s32 s3, s13;
	[sflag:s15] =	ssyncadd.s32 $0xFFFFC000  }
.Ltmp2:
0x57: {  	[bflag:$0x0] =	sbarrier.arrive $0xFFFF;
	(pc) =	sbr.rel @p0 .LBB2_1-.Ltmp2, $4  }
0x58: {  	[hbm:s12], [sflag:s19] =	dma.local [spmem:s20], $0x2800  }
0x59: {  	_ =	swait.ge [sflag:s15], $0x2800  }
0x5a: {  	[sflag:s15] =	ssyncset.done $0x0  }
0x5b: {  	[sflag:s15] =	ssyncadd.s32 $0xFFFFD800  }
0x5c: {  	_ =	sfence.sel $0x180000  }
0x5d: {  	[bflag:$0x0] =	sbarrier.arrive $0xFFFF  }
0x5e: {  	p0 =	sne.s32 s0, $0x0;
	_ =	strace $0x9000004A  }
0x5f: {  	s0 =	sadd.s32 @!p0 $0x100000, s1;
	[bflag:$0x2] =	sbarrier.arrive $0xFFFF  }
0x60: {  	[sflag:s0] =	ssyncadd.tile.s32 @!p0 $0x1;
	_ =	shalt  }
.Lfunc_end2:
_tile_overlayer_lowered:
.L_overlay_start_2:
0x61: {  	(tag) =	ssettag $0x2  }
0x62: {  	s0 =	rddreg [dreg:$0x0];
	s2 =	stileid.u32  }
0x63: {  	s1 =	rddreg [dreg:$0x1];
	p0 =	sne.s32 s2, $0x0  }
0x64: {  	s3 =	rddreg [dreg:$0x2];
	[bflag:$0x3] =	sbarrier.arrive $0xFFFF;
	s2 =	simm.s32 @!p0 $0x1C02  }
0x65: {  	[timem:s3], [sflag:s2] =	dma.local @!p0 [hbm:s0], s1  }
0x66: {  	s0 =	simm.s32 @!p0 $0x2  }
0x67: {  	_ =	swait.ge @!p0 [sflag:s0], s1  }
0x68: {  	s1 =	ssub.s32 @!p0 $0x0, s1;
	[sflag:s0] =	ssyncset.done @!p0 $0x0  }
0x69: {  	[sflag:s0] =	ssyncadd.s32 @!p0 s1  }
0x6a: {  	[bflag:$0x3] =	sbarrier.arrive $0xFFFF  }
0x6b: {  	_ =	shalt  }

</sc_bundles>
